<compile_context>
chip_gen: v7x
topology: tpu7x:2x2x1
jax: 0.10.2.dev20260603
libtpu: 0.0.44.dev20260713+nightly
codegen_flags: <defaults>
</compile_context>

<pallas_src>
import functools

import jax
import jax.numpy as jnp
from jax import lax
from jax.experimental import pallas as pl
from jax.experimental.pallas import tpu as pltpu
from jax.experimental.pallas import tpu_sc as plsc

D_MODEL = 64
NUM_CORES = 2
NUM_SUBCORES = 16
NW = NUM_CORES * NUM_SUBCORES
NBUF = 4


@functools.partial(jax.jit, static_argnames=("bsz", "seq"))
def _emb_lookup(table, x, bsz, seq):
    mesh = plsc.VectorSubcoreMesh(
        core_axis_name="c", subcore_axis_name="s",
        num_cores=NUM_CORES, num_subcores=NUM_SUBCORES)
    rows_per_w = bsz // NW

    @functools.partial(
        pl.kernel,
        out_type=jax.ShapeDtypeStruct((bsz, seq, D_MODEL), jnp.float32),
        mesh=mesh,
        scratch_types=[
            pltpu.VMEM((rows_per_w, seq), jnp.int32),
            pltpu.VMEM((NBUF, seq, D_MODEL), jnp.float32),
            pltpu.SemaphoreType.DMA,
            pltpu.SemaphoreType.DMA((NBUF,)),
            pltpu.SemaphoreType.DMA((NBUF,)),
        ],
        compiler_params=pltpu.CompilerParams(use_tc_tiling_on_sc=False),
    )
    def k(table_hbm, x_hbm, out_hbm, idx_v, rows_v, isem, gsems, osems):
        wid = lax.axis_index("s") * NUM_CORES + lax.axis_index("c")
        base = wid * rows_per_w

        cp = pltpu.make_async_copy(
            x_hbm.at[pl.ds(base, rows_per_w)], idx_v, isem)
        cp.start()
        cp.wait()

        def g_copy(j, b):
            return pltpu.make_async_copy(
                table_hbm.at[idx_v.at[j]], rows_v.at[b], gsems.at[b])

        def o_copy(j, b):
            return pltpu.make_async_copy(
                rows_v.at[b], out_hbm.at[base + j], osems.at[b])

        for b in range(NBUF):
            g_copy(b, b).start()

        n_rounds = rows_per_w // NBUF

        def round_body(r, carry):
            for b in range(NBUF):
                j = r * NBUF + b
                g_copy(j, b).wait()
                o_copy(j, b).start()
            for b in range(NBUF):
                j = r * NBUF + b
                o_copy(j, b).wait()
                jn = j + NBUF

                @pl.when(jn < rows_per_w)
                def _():
                    g_copy(jn, b).start()

            return carry

        lax.fori_loop(0, n_rounds, round_body, 0)

    return k(table, x)


def kernel(x, table):
    bsz, seq = x.shape
    return _emb_lookup(table, x, bsz, seq)

# --- scband reference (transcript-rebuilt; emitter-appended) ---
"""Pipeline reference for scband-embeddings-42176578847286 (READ-ONLY COPY).

The authoritative reference and input builder live on the scoring server;
editing this copy changes nothing except your own understanding.
"""

import jax, jax.numpy as jnp
import numpy as np

N_TOKENS = 100000
D_MODEL = 64
PAD_IDX = 0

def setup_inputs(seed: int = 0) -> dict:
    key = jax.random.key(seed)
    k1, k2 = jax.random.split(key)
    x = jax.random.randint(k1, (4096, 200), 0, N_TOKENS, dtype=jnp.int64 if jax.config.read('jax_enable_x64') else jnp.int32)
    table = jax.random.normal(k2, (N_TOKENS, D_MODEL), dtype=jnp.float32)
    # nn.Embedding with padding_idx initializes the pad row to zeros
    table = table.at[PAD_IDX].set(0.0)
    return {"x": x, "table": table}

def reference(x, table):
    # Faithful to nn.Embedding(n_tokens, d_model, padding_idx)(x): simple row gather
    return jnp.take(table, x, axis=0)

if __name__ == "__main__":
    import jax
    _d = setup_inputs()
    print(jax.jit(kernel)(*tuple(_d.values())))

</pallas_src>

<mosaic_0001>
#map = affine_map<(d0, d1) -> (0, 0)>
#map1 = affine_map<(d0, d1) -> (0, 0, 0)>
module attributes {stable_mosaic.version = 14 : i64} {
  func.func @k(%arg0: i32, %arg1: i32, %arg2: memref<100000x64xf32, #tpu.memory_space<hbm>>, %arg3: memref<4096x200xi32, #tpu.memory_space<hbm>>, %arg4: memref<4096x200x64xf32, #tpu.memory_space<hbm>>, %arg5: memref<128x200xi32, #tpu.memory_space<vmem>>, %arg6: memref<4x200x64xf32, #tpu.memory_space<vmem>>, %arg7: memref<!tpu.dma_semaphore, #tpu.memory_space<semaphore_mem>>, %arg8: memref<4x!tpu.dma_semaphore, #tpu.memory_space<semaphore_mem>>, %arg9: memref<4x!tpu.dma_semaphore, #tpu.memory_space<semaphore_mem>>) attributes {dimension_semantics = [#tpu.dimension_semantics<core_parallel>, #tpu.dimension_semantics<subcore_parallel>], iteration_bounds = array<i64: 2, 16>, scalar_prefetch = 0 : i64, scratch_operands = 5 : i64, tpu.core_type = #tpu.core_type<sc_vector_subcore>, window_params = [{transform_indices = #map}, {transform_indices = #map}, {transform_indices = #map1}]} {
    %mul3A = arith.constant 2 : i32
    %mul3A_0 = arith.muli %arg1, %mul3A : i32
    %add3A = arith.addi %mul3A_0, %arg0 : i32
    %mul3A_1 = arith.constant 128 : i32
    %mul3A_2 = arith.muli %add3A, %mul3A_1 : i32
    %dma_start3A = arith.constant 0 : i32
    %dma_start3A_3 = tpu.memref_slice %arg3[%mul3A_2, %dma_start3A] : memref<4096x200xi32, #tpu.memory_space<hbm>> -> memref<128x200xi32, #tpu.memory_space<hbm>>
    %dma_start3A_4 = arith.constant 0 : i32
    %dma_start3A_5 = tpu.memref_slice %arg3[%mul3A_2, %dma_start3A_4] : memref<4096x200xi32, #tpu.memory_space<hbm>> -> memref<128x200xi32, #tpu.memory_space<hbm>>
    tpu.enqueue_dma source(%dma_start3A_5 : memref<128x200xi32, #tpu.memory_space<hbm>>) target(%arg5 : memref<128x200xi32, #tpu.memory_space<vmem>>) target_semaphore(%arg7 : memref<!tpu.dma_semaphore, #tpu.memory_space<semaphore_mem>>)
    %dma_wait3A = arith.constant 0 : i32
    %dma_wait3A_6 = tpu.memref_slice %arg3[%mul3A_2, %dma_wait3A] : memref<4096x200xi32, #tpu.memory_space<hbm>> -> memref<128x200xi32, #tpu.memory_space<hbm>>
    %dma_wait3A_7 = arith.constant 0 : i32
    %dma_wait3A_8 = tpu.memref_slice %arg3[%mul3A_2, %dma_wait3A_7] : memref<4096x200xi32, #tpu.memory_space<hbm>> -> memref<128x200xi32, #tpu.memory_space<hbm>>
    tpu.wait_dma2 semaphore(%arg7 : memref<!tpu.dma_semaphore, #tpu.memory_space<semaphore_mem>>) src(%dma_wait3A_8 : memref<128x200xi32, #tpu.memory_space<hbm>>) dst(%arg5 : memref<128x200xi32, #tpu.memory_space<vmem>>)
    %dma_start3A_9 = arith.constant 0 : i32
    %dma_start3A_10 = arith.constant 0 : i32
    %dma_start3A_11 = arith.constant 0 : i32
    %dma_start3A_12 = arith.constant 0 : i32
    %dma_start3A_13 = arith.constant 0 : i32
    %dma_start3A_14 = tpu.memref_slice %arg6[%dma_start3A_10, %dma_start3A_12, %dma_start3A_13] : memref<4x200x64xf32, #tpu.memory_space<vmem>> -> memref<1x200x64xf32, #tpu.memory_space<vmem>>
    %dma_start3A_15 = tpu.memref_squeeze %dma_start3A_14 : memref<1x200x64xf32, #tpu.memory_space<vmem>> -> memref<200x64xf32, #tpu.memory_space<vmem>>
    %dma_start3A_16 = arith.constant 0 : i32
    %dma_start3A_17 = tpu.memref_slice %arg5[%dma_start3A_9, %dma_start3A_16] : memref<128x200xi32, #tpu.memory_space<vmem>> -> memref<1x200xi32, #tpu.memory_space<vmem>>
    %dma_start3A_18 = tpu.memref_squeeze %dma_start3A_17 : memref<1x200xi32, #tpu.memory_space<vmem>> -> memref<200xi32, #tpu.memory_space<vmem>>
    %dma_start3A_19 = arith.constant 0 : i32
    %dma_start3A_20 = arith.constant 0 : i32
    %dma_start3A_21 = tpu.memref_slice %arg2[%dma_start3A_19, %dma_start3A_20] : memref<100000x64xf32, #tpu.memory_space<hbm>> -> memref<100000x64xf32, #tpu.memory_space<hbm>>
    %dma_start3A_22 = tpu.memref_slice %arg8[%dma_start3A_11] : memref<4x!tpu.dma_semaphore, #tpu.memory_space<semaphore_mem>> -> memref<1x!tpu.dma_semaphore, #tpu.memory_space<semaphore_mem>>
    %dma_start3A_23 = tpu.memref_squeeze %dma_start3A_22 : memref<1x!tpu.dma_semaphore, #tpu.memory_space<semaphore_mem>> -> memref<!tpu.dma_semaphore, #tpu.memory_space<semaphore_mem>>
    tpu.enqueue_indirect_dma source(%dma_start3A_21 : memref<100000x64xf32, #tpu.memory_space<hbm>>) target(%dma_start3A_15 : memref<200x64xf32, #tpu.memory_space<vmem>>) offsets(%dma_start3A_18 : memref<200xi32, #tpu.memory_space<vmem>>) semaphore(%dma_start3A_23 : memref<!tpu.dma_semaphore, #tpu.memory_space<semaphore_mem>>)
    %dma_start3A_24 = arith.constant 1 : i32
    %dma_start3A_25 = arith.constant 1 : i32
    %dma_start3A_26 = arith.constant 1 : i32
    %dma_start3A_27 = arith.constant 0 : i32
    %dma_start3A_28 = arith.constant 0 : i32
    %dma_start3A_29 = tpu.memref_slice %arg6[%dma_start3A_25, %dma_start3A_27, %dma_start3A_28] : memref<4x200x64xf32, #tpu.memory_space<vmem>> -> memref<1x200x64xf32, #tpu.memory_space<vmem>>
    %dma_start3A_30 = tpu.memref_squeeze %dma_start3A_29 : memref<1x200x64xf32, #tpu.memory_space<vmem>> -> memref<200x64xf32, #tpu.memory_space<vmem>>
    %dma_start3A_31 = arith.constant 0 : i32
    %dma_start3A_32 = tpu.memref_slice %arg5[%dma_start3A_24, %dma_start3A_31] : memref<128x200xi32, #tpu.memory_space<vmem>> -> memref<1x200xi32, #tpu.memory_space<vmem>>
    %dma_start3A_33 = tpu.memref_squeeze %dma_start3A_32 : memref<1x200xi32, #tpu.memory_space<vmem>> -> memref<200xi32, #tpu.memory_space<vmem>>
    %dma_start3A_34 = arith.constant 0 : i32
    %dma_start3A_35 = arith.constant 0 : i32
    %dma_start3A_36 = tpu.memref_slice %arg2[%dma_start3A_34, %dma_start3A_35] : memref<100000x64xf32, #tpu.memory_space<hbm>> -> memref<100000x64xf32, #tpu.memory_space<hbm>>
    %dma_start3A_37 = tpu.memref_slice %arg8[%dma_start3A_26] : memref<4x!tpu.dma_semaphore, #tpu.memory_space<semaphore_mem>> -> memref<1x!tpu.dma_semaphore, #tpu.memory_space<semaphore_mem>>
    %dma_start3A_38 = tpu.memref_squeeze %dma_start3A_37 : memref<1x!tpu.dma_semaphore, #tpu.memory_space<semaphore_mem>> -> memref<!tpu.dma_semaphore, #tpu.memory_space<semaphore_mem>>
    tpu.enqueue_indirect_dma source(%dma_start3A_36 : memref<100000x64xf32, #tpu.memory_space<hbm>>) target(%dma_start3A_30 : memref<200x64xf32, #tpu.memory_space<vmem>>) offsets(%dma_start3A_33 : memref<200xi32, #tpu.memory_space<vmem>>) semaphore(%dma_start3A_38 : memref<!tpu.dma_semaphore, #tpu.memory_space<semaphore_mem>>)
    %dma_start3A_39 = arith.constant 2 : i32
    %dma_start3A_40 = arith.constant 2 : i32
    %dma_start3A_41 = arith.constant 2 : i32
    %dma_start3A_42 = arith.constant 0 : i32
    %dma_start3A_43 = arith.constant 0 : i32
    %dma_start3A_44 = tpu.memref_slice %arg6[%dma_start3A_40, %dma_start3A_42, %dma_start3A_43] : memref<4x200x64xf32, #tpu.memory_space<vmem>> -> memref<1x200x64xf32, #tpu.memory_space<vmem>>
    %dma_start3A_45 = tpu.memref_squeeze %dma_start3A_44 : memref<1x200x64xf32, #tpu.memory_space<vmem>> -> memref<200x64xf32, #tpu.memory_space<vmem>>
    %dma_start3A_46 = arith.constant 0 : i32
    %dma_start3A_47 = tpu.memref_slice %arg5[%dma_start3A_39, %dma_start3A_46] : memref<128x200xi32, #tpu.memory_space<vmem>> -> memref<1x200xi32, #tpu.memory_space<vmem>>
    %dma_start3A_48 = tpu.memref_squeeze %dma_start3A_47 : memref<1x200xi32, #tpu.memory_space<vmem>> -> memref<200xi32, #tpu.memory_space<vmem>>
    %dma_start3A_49 = arith.constant 0 : i32
    %dma_start3A_50 = arith.constant 0 : i32
    %dma_start3A_51 = tpu.memref_slice %arg2[%dma_start3A_49, %dma_start3A_50] : memref<100000x64xf32, #tpu.memory_space<hbm>> -> memref<100000x64xf32, #tpu.memory_space<hbm>>
    %dma_start3A_52 = tpu.memref_slice %arg8[%dma_start3A_41] : memref<4x!tpu.dma_semaphore, #tpu.memory_space<semaphore_mem>> -> memref<1x!tpu.dma_semaphore, #tpu.memory_space<semaphore_mem>>
    %dma_start3A_53 = tpu.memref_squeeze %dma_start3A_52 : memref<1x!tpu.dma_semaphore, #tpu.memory_space<semaphore_mem>> -> memref<!tpu.dma_semaphore, #tpu.memory_space<semaphore_mem>>
    tpu.enqueue_indirect_dma source(%dma_start3A_51 : memref<100000x64xf32, #tpu.memory_space<hbm>>) target(%dma_start3A_45 : memref<200x64xf32, #tpu.memory_space<vmem>>) offsets(%dma_start3A_48 : memref<200xi32, #tpu.memory_space<vmem>>) semaphore(%dma_start3A_53 : memref<!tpu.dma_semaphore, #tpu.memory_space<semaphore_mem>>)
    %dma_start3A_54 = arith.constant 3 : i32
    %dma_start3A_55 = arith.constant 3 : i32
    %dma_start3A_56 = arith.constant 3 : i32
    %dma_start3A_57 = arith.constant 0 : i32
    %dma_start3A_58 = arith.constant 0 : i32
    %dma_start3A_59 = tpu.memref_slice %arg6[%dma_start3A_55, %dma_start3A_57, %dma_start3A_58] : memref<4x200x64xf32, #tpu.memory_space<vmem>> -> memref<1x200x64xf32, #tpu.memory_space<vmem>>
    %dma_start3A_60 = tpu.memref_squeeze %dma_start3A_59 : memref<1x200x64xf32, #tpu.memory_space<vmem>> -> memref<200x64xf32, #tpu.memory_space<vmem>>
    %dma_start3A_61 = arith.constant 0 : i32
    %dma_start3A_62 = tpu.memref_slice %arg5[%dma_start3A_54, %dma_start3A_61] : memref<128x200xi32, #tpu.memory_space<vmem>> -> memref<1x200xi32, #tpu.memory_space<vmem>>
    %dma_start3A_63 = tpu.memref_squeeze %dma_start3A_62 : memref<1x200xi32, #tpu.memory_space<vmem>> -> memref<200xi32, #tpu.memory_space<vmem>>
    %dma_start3A_64 = arith.constant 0 : i32
    %dma_start3A_65 = arith.constant 0 : i32
    %dma_start3A_66 = tpu.memref_slice %arg2[%dma_start3A_64, %dma_start3A_65] : memref<100000x64xf32, #tpu.memory_space<hbm>> -> memref<100000x64xf32, #tpu.memory_space<hbm>>
    %dma_start3A_67 = tpu.memref_slice %arg8[%dma_start3A_56] : memref<4x!tpu.dma_semaphore, #tpu.memory_space<semaphore_mem>> -> memref<1x!tpu.dma_semaphore, #tpu.memory_space<semaphore_mem>>
    %dma_start3A_68 = tpu.memref_squeeze %dma_start3A_67 : memref<1x!tpu.dma_semaphore, #tpu.memory_space<semaphore_mem>> -> memref<!tpu.dma_semaphore, #tpu.memory_space<semaphore_mem>>
    tpu.enqueue_indirect_dma source(%dma_start3A_66 : memref<100000x64xf32, #tpu.memory_space<hbm>>) target(%dma_start3A_60 : memref<200x64xf32, #tpu.memory_space<vmem>>) offsets(%dma_start3A_63 : memref<200xi32, #tpu.memory_space<vmem>>) semaphore(%dma_start3A_68 : memref<!tpu.dma_semaphore, #tpu.memory_space<semaphore_mem>>)
    %scan3A = arith.constant 0 : i32
    %scan3A_69 = arith.constant 0 : i32
    %scan3A_70 = arith.constant 32 : i32
    %scan3A_71 = arith.addi %scan3A_69, %scan3A_70 : i32
    %scan3A_72 = arith.constant 1 : i32
    scf.for %scan3A_74 = %scan3A_69 to %scan3A_71 step %scan3A_72  : i32 {
      %mul3A_75 = arith.constant 4 : i32
      %mul3A_76 = arith.muli %scan3A_74, %mul3A_75 : i32
      %add3A_77 = arith.constant 0 : i32
      %add3A_78 = arith.addi %mul3A_76, %add3A_77 : i32
      %dma_wait3A_79 = arith.constant 0 : i32
      %dma_wait3A_80 = arith.constant 0 : i32
      %dma_wait3A_81 = arith.constant 0 : i32
      %dma_wait3A_82 = arith.constant 0 : i32
      %dma_wait3A_83 = tpu.memref_slice %arg6[%dma_wait3A_79, %dma_wait3A_81, %dma_wait3A_82] : memref<4x200x64xf32, #tpu.memory_space<vmem>> -> memref<1x200x64xf32, #tpu.memory_space<vmem>>
      %dma_wait3A_84 = tpu.memref_squeeze %dma_wait3A_83 : memref<1x200x64xf32, #tpu.memory_space<vmem>> -> memref<200x64xf32, #tpu.memory_space<vmem>>
      %dma_wait3A_85 = arith.constant 0 : i32
      %dma_wait3A_86 = tpu.memref_slice %arg5[%add3A_78, %dma_wait3A_85] : memref<128x200xi32, #tpu.memory_space<vmem>> -> memref<1x200xi32, #tpu.memory_space<vmem>>
      %dma_wait3A_87 = tpu.memref_squeeze %dma_wait3A_86 : memref<1x200xi32, #tpu.memory_space<vmem>> -> memref<200xi32, #tpu.memory_space<vmem>>
      %dma_wait3A_88 = arith.constant 0 : i32
      %dma_wait3A_89 = arith.constant 0 : i32
      %dma_wait3A_90 = tpu.memref_slice %arg2[%dma_wait3A_88, %dma_wait3A_89] : memref<100000x64xf32, #tpu.memory_space<hbm>> -> memref<100000x64xf32, #tpu.memory_space<hbm>>
      %dma_wait3A_91 = tpu.memref_slice %arg8[%dma_wait3A_80] : memref<4x!tpu.dma_semaphore, #tpu.memory_space<semaphore_mem>> -> memref<1x!tpu.dma_semaphore, #tpu.memory_space<semaphore_mem>>
      %dma_wait3A_92 = tpu.memref_squeeze %dma_wait3A_91 : memref<1x!tpu.dma_semaphore, #tpu.memory_space<semaphore_mem>> -> memref<!tpu.dma_semaphore, #tpu.memory_space<semaphore_mem>>
      tpu.wait_indirect_dma semaphore(%dma_wait3A_92 : memref<!tpu.dma_semaphore, #tpu.memory_space<semaphore_mem>>) src(%dma_wait3A_90 : memref<100000x64xf32, #tpu.memory_space<hbm>>) dst(%dma_wait3A_84 : memref<200x64xf32, #tpu.memory_space<vmem>>)
      %add3A_93 = arith.addi %mul3A_2, %add3A_78 : i32
      %dma_start3A_94 = arith.constant 0 : i32
      %dma_start3A_95 = arith.constant 0 : i32
      %dma_start3A_96 = arith.constant 0 : i32
      %dma_start3A_97 = arith.constant 0 : i32
      %dma_start3A_98 = tpu.memref_slice %arg6[%dma_start3A_94, %dma_start3A_96, %dma_start3A_97] : memref<4x200x64xf32, #tpu.memory_space<vmem>> -> memref<1x200x64xf32, #tpu.memory_space<vmem>>
      %dma_start3A_99 = tpu.memref_squeeze %dma_start3A_98 : memref<1x200x64xf32, #tpu.memory_space<vmem>> -> memref<200x64xf32, #tpu.memory_space<vmem>>
      %dma_start3A_100 = arith.constant 0 : i32
      %dma_start3A_101 = arith.constant 0 : i32
      %dma_start3A_102 = tpu.memref_slice %arg4[%add3A_93, %dma_start3A_100, %dma_start3A_101] : memref<4096x200x64xf32, #tpu.memory_space<hbm>> -> memref<1x200x64xf32, #tpu.memory_space<hbm>>
      %dma_start3A_103 = tpu.memref_squeeze %dma_start3A_102 : memref<1x200x64xf32, #tpu.memory_space<hbm>> -> memref<200x64xf32, #tpu.memory_space<hbm>>
      %dma_start3A_104 = tpu.memref_slice %arg9[%dma_start3A_95] : memref<4x!tpu.dma_semaphore, #tpu.memory_space<semaphore_mem>> -> memref<1x!tpu.dma_semaphore, #tpu.memory_space<semaphore_mem>>
      %dma_start3A_105 = tpu.memref_squeeze %dma_start3A_104 : memref<1x!tpu.dma_semaphore, #tpu.memory_space<semaphore_mem>> -> memref<!tpu.dma_semaphore, #tpu.memory_space<semaphore_mem>>
      %dma_start3A_106 = arith.constant 0 : i32
      %dma_start3A_107 = arith.constant 0 : i32
      %dma_start3A_108 = tpu.memref_slice %arg4[%add3A_93, %dma_start3A_106, %dma_start3A_107] : memref<4096x200x64xf32, #tpu.memory_space<hbm>> -> memref<1x200x64xf32, #tpu.memory_space<hbm>>
      %dma_start3A_109 = tpu.memref_squeeze %dma_start3A_108 : memref<1x200x64xf32, #tpu.memory_space<hbm>> -> memref<200x64xf32, #tpu.memory_space<hbm>>
      %dma_start3A_110 = arith.constant 0 : i32
      %dma_start3A_111 = arith.constant 0 : i32
      %dma_start3A_112 = tpu.memref_slice %arg6[%dma_start3A_94, %dma_start3A_110, %dma_start3A_111] : memref<4x200x64xf32, #tpu.memory_space<vmem>> -> memref<1x200x64xf32, #tpu.memory_space<vmem>>
      %dma_start3A_113 = tpu.memref_squeeze %dma_start3A_112 : memref<1x200x64xf32, #tpu.memory_space<vmem>> -> memref<200x64xf32, #tpu.memory_space<vmem>>
      tpu.enqueue_dma source(%dma_start3A_113 : memref<200x64xf32, #tpu.memory_space<vmem>>) target(%dma_start3A_109 : memref<200x64xf32, #tpu.memory_space<hbm>>) target_semaphore(%dma_start3A_105 : memref<!tpu.dma_semaphore, #tpu.memory_space<semaphore_mem>>)
      %mul3A_114 = arith.constant 4 : i32
      %mul3A_115 = arith.muli %scan3A_74, %mul3A_114 : i32
      %add3A_116 = arith.constant 1 : i32
      %add3A_117 = arith.addi %mul3A_115, %add3A_116 : i32
      %dma_wait3A_118 = arith.constant 1 : i32
      %dma_wait3A_119 = arith.constant 1 : i32
      %dma_wait3A_120 = arith.constant 0 : i32
      %dma_wait3A_121 = arith.constant 0 : i32
      %dma_wait3A_122 = tpu.memref_slice %arg6[%dma_wait3A_118, %dma_wait3A_120, %dma_wait3A_121] : memref<4x200x64xf32, #tpu.memory_space<vmem>> -> memref<1x200x64xf32, #tpu.memory_space<vmem>>
      %dma_wait3A_123 = tpu.memref_squeeze %dma_wait3A_122 : memref<1x200x64xf32, #tpu.memory_space<vmem>> -> memref<200x64xf32, #tpu.memory_space<vmem>>
      %dma_wait3A_124 = arith.constant 0 : i32
      %dma_wait3A_125 = tpu.memref_slice %arg5[%add3A_117, %dma_wait3A_124] : memref<128x200xi32, #tpu.memory_space<vmem>> -> memref<1x200xi32, #tpu.memory_space<vmem>>
      %dma_wait3A_126 = tpu.memref_squeeze %dma_wait3A_125 : memref<1x200xi32, #tpu.memory_space<vmem>> -> memref<200xi32, #tpu.memory_space<vmem>>
      %dma_wait3A_127 = arith.constant 0 : i32
      %dma_wait3A_128 = arith.constant 0 : i32
      %dma_wait3A_129 = tpu.memref_slice %arg2[%dma_wait3A_127, %dma_wait3A_128] : memref<100000x64xf32, #tpu.memory_space<hbm>> -> memref<100000x64xf32, #tpu.memory_space<hbm>>
      %dma_wait3A_130 = tpu.memref_slice %arg8[%dma_wait3A_119] : memref<4x!tpu.dma_semaphore, #tpu.memory_space<semaphore_mem>> -> memref<1x!tpu.dma_semaphore, #tpu.memory_space<semaphore_mem>>
      %dma_wait3A_131 = tpu.memref_squeeze %dma_wait3A_130 : memref<1x!tpu.dma_semaphore, #tpu.memory_space<semaphore_mem>> -> memref<!tpu.dma_semaphore, #tpu.memory_space<semaphore_mem>>
      tpu.wait_indirect_dma semaphore(%dma_wait3A_131 : memref<!tpu.dma_semaphore, #tpu.memory_space<semaphore_mem>>) src(%dma_wait3A_129 : memref<100000x64xf32, #tpu.memory_space<hbm>>) dst(%dma_wait3A_123 : memref<200x64xf32, #tpu.memory_space<vmem>>)
      %add3A_132 = arith.addi %mul3A_2, %add3A_117 : i32
      %dma_start3A_133 = arith.constant 1 : i32
      %dma_start3A_134 = arith.constant 1 : i32
      %dma_start3A_135 = arith.constant 0 : i32
      %dma_start3A_136 = arith.constant 0 : i32
      %dma_start3A_137 = tpu.memref_slice %arg6[%dma_start3A_133, %dma_start3A_135, %dma_start3A_136] : memref<4x200x64xf32, #tpu.memory_space<vmem>> -> memref<1x200x64xf32, #tpu.memory_space<vmem>>
      %dma_start3A_138 = tpu.memref_squeeze %dma_start3A_137 : memref<1x200x64xf32, #tpu.memory_space<vmem>> -> memref<200x64xf32, #tpu.memory_space<vmem>>
      %dma_start3A_139 = arith.constant 0 : i32
      %dma_start3A_140 = arith.constant 0 : i32
      %dma_start3A_141 = tpu.memref_slice %arg4[%add3A_132, %dma_start3A_139, %dma_start3A_140] : memref<4096x200x64xf32, #tpu.memory_space<hbm>> -> memref<1x200x64xf32, #tpu.memory_space<hbm>>
      %dma_start3A_142 = tpu.memref_squeeze %dma_start3A_141 : memref<1x200x64xf32, #tpu.memory_space<hbm>> -> memref<200x64xf32, #tpu.memory_space<hbm>>
      %dma_start3A_143 = tpu.memref_slice %arg9[%dma_start3A_134] : memref<4x!tpu.dma_semaphore, #tpu.memory_space<semaphore_mem>> -> memref<1x!tpu.dma_semaphore, #tpu.memory_space<semaphore_mem>>
      %dma_start3A_144 = tpu.memref_squeeze %dma_start3A_143 : memref<1x!tpu.dma_semaphore, #tpu.memory_space<semaphore_mem>> -> memref<!tpu.dma_semaphore, #tpu.memory_space<semaphore_mem>>
      %dma_start3A_145 = arith.constant 0 : i32
      %dma_start3A_146 = arith.constant 0 : i32
      %dma_start3A_147 = tpu.memref_slice %arg4[%add3A_132, %dma_start3A_145, %dma_start3A_146] : memref<4096x200x64xf32, #tpu.memory_space<hbm>> -> memref<1x200x64xf32, #tpu.memory_space<hbm>>
      %dma_start3A_148 = tpu.memref_squeeze %dma_start3A_147 : memref<1x200x64xf32, #tpu.memory_space<hbm>> -> memref<200x64xf32, #tpu.memory_space<hbm>>
      %dma_start3A_149 = arith.constant 0 : i32
      %dma_start3A_150 = arith.constant 0 : i32
      %dma_start3A_151 = tpu.memref_slice %arg6[%dma_start3A_133, %dma_start3A_149, %dma_start3A_150] : memref<4x200x64xf32, #tpu.memory_space<vmem>> -> memref<1x200x64xf32, #tpu.memory_space<vmem>>
      %dma_start3A_152 = tpu.memref_squeeze %dma_start3A_151 : memref<1x200x64xf32, #tpu.memory_space<vmem>> -> memref<200x64xf32, #tpu.memory_space<vmem>>
      tpu.enqueue_dma source(%dma_start3A_152 : memref<200x64xf32, #tpu.memory_space<vmem>>) target(%dma_start3A_148 : memref<200x64xf32, #tpu.memory_space<hbm>>) target_semaphore(%dma_start3A_144 : memref<!tpu.dma_semaphore, #tpu.memory_space<semaphore_mem>>)
      %mul3A_153 = arith.constant 4 : i32
      %mul3A_154 = arith.muli %scan3A_74, %mul3A_153 : i32
      %add3A_155 = arith.constant 2 : i32
      %add3A_156 = arith.addi %mul3A_154, %add3A_155 : i32
      %dma_wait3A_157 = arith.constant 2 : i32
      %dma_wait3A_158 = arith.constant 2 : i32
      %dma_wait3A_159 = arith.constant 0 : i32
      %dma_wait3A_160 = arith.constant 0 : i32
      %dma_wait3A_161 = tpu.memref_slice %arg6[%dma_wait3A_157, %dma_wait3A_159, %dma_wait3A_160] : memref<4x200x64xf32, #tpu.memory_space<vmem>> -> memref<1x200x64xf32, #tpu.memory_space<vmem>>
      %dma_wait3A_162 = tpu.memref_squeeze %dma_wait3A_161 : memref<1x200x64xf32, #tpu.memory_space<vmem>> -> memref<200x64xf32, #tpu.memory_space<vmem>>
      %dma_wait3A_163 = arith.constant 0 : i32
      %dma_wait3A_164 = tpu.memref_slice %arg5[%add3A_156, %dma_wait3A_163] : memref<128x200xi32, #tpu.memory_space<vmem>> -> memref<1x200xi32, #tpu.memory_space<vmem>>
      %dma_wait3A_165 = tpu.memref_squeeze %dma_wait3A_164 : memref<1x200xi32, #tpu.memory_space<vmem>> -> memref<200xi32, #tpu.memory_space<vmem>>
      %dma_wait3A_166 = arith.constant 0 : i32
      %dma_wait3A_167 = arith.constant 0 : i32
      %dma_wait3A_168 = tpu.memref_slice %arg2[%dma_wait3A_166, %dma_wait3A_167] : memref<100000x64xf32, #tpu.memory_space<hbm>> -> memref<100000x64xf32, #tpu.memory_space<hbm>>
      %dma_wait3A_169 = tpu.memref_slice %arg8[%dma_wait3A_158] : memref<4x!tpu.dma_semaphore, #tpu.memory_space<semaphore_mem>> -> memref<1x!tpu.dma_semaphore, #tpu.memory_space<semaphore_mem>>
      %dma_wait3A_170 = tpu.memref_squeeze %dma_wait3A_169 : memref<1x!tpu.dma_semaphore, #tpu.memory_space<semaphore_mem>> -> memref<!tpu.dma_semaphore, #tpu.memory_space<semaphore_mem>>
      tpu.wait_indirect_dma semaphore(%dma_wait3A_170 : memref<!tpu.dma_semaphore, #tpu.memory_space<semaphore_mem>>) src(%dma_wait3A_168 : memref<100000x64xf32, #tpu.memory_space<hbm>>) dst(%dma_wait3A_162 : memref<200x64xf32, #tpu.memory_space<vmem>>)
      %add3A_171 = arith.addi %mul3A_2, %add3A_156 : i32
      %dma_start3A_172 = arith.constant 2 : i32
      %dma_start3A_173 = arith.constant 2 : i32
      %dma_start3A_174 = arith.constant 0 : i32
      %dma_start3A_175 = arith.constant 0 : i32
      %dma_start3A_176 = tpu.memref_slice %arg6[%dma_start3A_172, %dma_start3A_174, %dma_start3A_175] : memref<4x200x64xf32, #tpu.memory_space<vmem>> -> memref<1x200x64xf32, #tpu.memory_space<vmem>>
      %dma_start3A_177 = tpu.memref_squeeze %dma_start3A_176 : memref<1x200x64xf32, #tpu.memory_space<vmem>> -> memref<200x64xf32, #tpu.memory_space<vmem>>
      %dma_start3A_178 = arith.constant 0 : i32
      %dma_start3A_179 = arith.constant 0 : i32
      %dma_start3A_180 = tpu.memref_slice %arg4[%add3A_171, %dma_start3A_178, %dma_start3A_179] : memref<4096x200x64xf32, #tpu.memory_space<hbm>> -> memref<1x200x64xf32, #tpu.memory_space<hbm>>
      %dma_start3A_181 = tpu.memref_squeeze %dma_start3A_180 : memref<1x200x64xf32, #tpu.memory_space<hbm>> -> memref<200x64xf32, #tpu.memory_space<hbm>>
      %dma_start3A_182 = tpu.memref_slice %arg9[%dma_start3A_173] : memref<4x!tpu.dma_semaphore, #tpu.memory_space<semaphore_mem>> -> memref<1x!tpu.dma_semaphore, #tpu.memory_space<semaphore_mem>>
      %dma_start3A_183 = tpu.memref_squeeze %dma_start3A_182 : memref<1x!tpu.dma_semaphore, #tpu.memory_space<semaphore_mem>> -> memref<!tpu.dma_semaphore, #tpu.memory_space<semaphore_mem>>
      %dma_start3A_184 = arith.constant 0 : i32
      %dma_start3A_185 = arith.constant 0 : i32
      %dma_start3A_186 = tpu.memref_slice %arg4[%add3A_171, %dma_start3A_184, %dma_start3A_185] : memref<4096x200x64xf32, #tpu.memory_space<hbm>> -> memref<1x200x64xf32, #tpu.memory_space<hbm>>
      %dma_start3A_187 = tpu.memref_squeeze %dma_start3A_186 : memref<1x200x64xf32, #tpu.memory_space<hbm>> -> memref<200x64xf32, #tpu.memory_space<hbm>>
      %dma_start3A_188 = arith.constant 0 : i32
      %dma_start3A_189 = arith.constant 0 : i32
      %dma_start3A_190 = tpu.memref_slice %arg6[%dma_start3A_172, %dma_start3A_188, %dma_start3A_189] : memref<4x200x64xf32, #tpu.memory_space<vmem>> -> memref<1x200x64xf32, #tpu.memory_space<vmem>>
      %dma_start3A_191 = tpu.memref_squeeze %dma_start3A_190 : memref<1x200x64xf32, #tpu.memory_space<vmem>> -> memref<200x64xf32, #tpu.memory_space<vmem>>
      tpu.enqueue_dma source(%dma_start3A_191 : memref<200x64xf32, #tpu.memory_space<vmem>>) target(%dma_start3A_187 : memref<200x64xf32, #tpu.memory_space<hbm>>) target_semaphore(%dma_start3A_183 : memref<!tpu.dma_semaphore, #tpu.memory_space<semaphore_mem>>)
      %mul3A_192 = arith.constant 4 : i32
      %mul3A_193 = arith.muli %scan3A_74, %mul3A_192 : i32
      %add3A_194 = arith.constant 3 : i32
      %add3A_195 = arith.addi %mul3A_193, %add3A_194 : i32
      %dma_wait3A_196 = arith.constant 3 : i32
      %dma_wait3A_197 = arith.constant 3 : i32
      %dma_wait3A_198 = arith.constant 0 : i32
      %dma_wait3A_199 = arith.constant 0 : i32
      %dma_wait3A_200 = tpu.memref_slice %arg6[%dma_wait3A_196, %dma_wait3A_198, %dma_wait3A_199] : memref<4x200x64xf32, #tpu.memory_space<vmem>> -> memref<1x200x64xf32, #tpu.memory_space<vmem>>
      %dma_wait3A_201 = tpu.memref_squeeze %dma_wait3A_200 : memref<1x200x64xf32, #tpu.memory_space<vmem>> -> memref<200x64xf32, #tpu.memory_space<vmem>>
      %dma_wait3A_202 = arith.constant 0 : i32
      %dma_wait3A_203 = tpu.memref_slice %arg5[%add3A_195, %dma_wait3A_202] : memref<128x200xi32, #tpu.memory_space<vmem>> -> memref<1x200xi32, #tpu.memory_space<vmem>>
      %dma_wait3A_204 = tpu.memref_squeeze %dma_wait3A_203 : memref<1x200xi32, #tpu.memory_space<vmem>> -> memref<200xi32, #tpu.memory_space<vmem>>
      %dma_wait3A_205 = arith.constant 0 : i32
      %dma_wait3A_206 = arith.constant 0 : i32
      %dma_wait3A_207 = tpu.memref_slice %arg2[%dma_wait3A_205, %dma_wait3A_206] : memref<100000x64xf32, #tpu.memory_space<hbm>> -> memref<100000x64xf32, #tpu.memory_space<hbm>>
      %dma_wait3A_208 = tpu.memref_slice %arg8[%dma_wait3A_197] : memref<4x!tpu.dma_semaphore, #tpu.memory_space<semaphore_mem>> -> memref<1x!tpu.dma_semaphore, #tpu.memory_space<semaphore_mem>>
      %dma_wait3A_209 = tpu.memref_squeeze %dma_wait3A_208 : memref<1x!tpu.dma_semaphore, #tpu.memory_space<semaphore_mem>> -> memref<!tpu.dma_semaphore, #tpu.memory_space<semaphore_mem>>
      tpu.wait_indirect_dma semaphore(%dma_wait3A_209 : memref<!tpu.dma_semaphore, #tpu.memory_space<semaphore_mem>>) src(%dma_wait3A_207 : memref<100000x64xf32, #tpu.memory_space<hbm>>) dst(%dma_wait3A_201 : memref<200x64xf32, #tpu.memory_space<vmem>>)
      %add3A_210 = arith.addi %mul3A_2, %add3A_195 : i32
      %dma_start3A_211 = arith.constant 3 : i32
      %dma_start3A_212 = arith.constant 3 : i32
      %dma_start3A_213 = arith.constant 0 : i32
      %dma_start3A_214 = arith.constant 0 : i32
      %dma_start3A_215 = tpu.memref_slice %arg6[%dma_start3A_211, %dma_start3A_213, %dma_start3A_214] : memref<4x200x64xf32, #tpu.memory_space<vmem>> -> memref<1x200x64xf32, #tpu.memory_space<vmem>>
      %dma_start3A_216 = tpu.memref_squeeze %dma_start3A_215 : memref<1x200x64xf32, #tpu.memory_space<vmem>> -> memref<200x64xf32, #tpu.memory_space<vmem>>
      %dma_start3A_217 = arith.constant 0 : i32
      %dma_start3A_218 = arith.constant 0 : i32
      %dma_start3A_219 = tpu.memref_slice %arg4[%add3A_210, %dma_start3A_217, %dma_start3A_218] : memref<4096x200x64xf32, #tpu.memory_space<hbm>> -> memref<1x200x64xf32, #tpu.memory_space<hbm>>
      %dma_start3A_220 = tpu.memref_squeeze %dma_start3A_219 : memref<1x200x64xf32, #tpu.memory_space<hbm>> -> memref<200x64xf32, #tpu.memory_space<hbm>>
      %dma_start3A_221 = tpu.memref_slice %arg9[%dma_start3A_212] : memref<4x!tpu.dma_semaphore, #tpu.memory_space<semaphore_mem>> -> memref<1x!tpu.dma_semaphore, #tpu.memory_space<semaphore_mem>>
      %dma_start3A_222 = tpu.memref_squeeze %dma_start3A_221 : memref<1x!tpu.dma_semaphore, #tpu.memory_space<semaphore_mem>> -> memref<!tpu.dma_semaphore, #tpu.memory_space<semaphore_mem>>
      %dma_start3A_223 = arith.constant 0 : i32
      %dma_start3A_224 = arith.constant 0 : i32
      %dma_start3A_225 = tpu.memref_slice %arg4[%add3A_210, %dma_start3A_223, %dma_start3A_224] : memref<4096x200x64xf32, #tpu.memory_space<hbm>> -> memref<1x200x64xf32, #tpu.memory_space<hbm>>
      %dma_start3A_226 = tpu.memref_squeeze %dma_start3A_225 : memref<1x200x64xf32, #tpu.memory_space<hbm>> -> memref<200x64xf32, #tpu.memory_space<hbm>>
      %dma_start3A_227 = arith.constant 0 : i32
      %dma_start3A_228 = arith.constant 0 : i32
      %dma_start3A_229 = tpu.memref_slice %arg6[%dma_start3A_211, %dma_start3A_227, %dma_start3A_228] : memref<4x200x64xf32, #tpu.memory_space<vmem>> -> memref<1x200x64xf32, #tpu.memory_space<vmem>>
      %dma_start3A_230 = tpu.memref_squeeze %dma_start3A_229 : memref<1x200x64xf32, #tpu.memory_space<vmem>> -> memref<200x64xf32, #tpu.memory_space<vmem>>
      tpu.enqueue_dma source(%dma_start3A_230 : memref<200x64xf32, #tpu.memory_space<vmem>>) target(%dma_start3A_226 : memref<200x64xf32, #tpu.memory_space<hbm>>) target_semaphore(%dma_start3A_222 : memref<!tpu.dma_semaphore, #tpu.memory_space<semaphore_mem>>)
      %mul3A_231 = arith.constant 4 : i32
      %mul3A_232 = arith.muli %scan3A_74, %mul3A_231 : i32
      %add3A_233 = arith.constant 0 : i32
      %add3A_234 = arith.addi %mul3A_232, %add3A_233 : i32
      %add3A_235 = arith.addi %mul3A_2, %add3A_234 : i32
      %dma_wait3A_236 = arith.constant 0 : i32
      %dma_wait3A_237 = arith.constant 0 : i32
      %dma_wait3A_238 = arith.constant 0 : i32
      %dma_wait3A_239 = arith.constant 0 : i32
      %dma_wait3A_240 = tpu.memref_slice %arg6[%dma_wait3A_236, %dma_wait3A_238, %dma_wait3A_239] : memref<4x200x64xf32, #tpu.memory_space<vmem>> -> memref<1x200x64xf32, #tpu.memory_space<vmem>>
      %dma_wait3A_241 = tpu.memref_squeeze %dma_wait3A_240 : memref<1x200x64xf32, #tpu.memory_space<vmem>> -> memref<200x64xf32, #tpu.memory_space<vmem>>
      %dma_wait3A_242 = arith.constant 0 : i32
      %dma_wait3A_243 = arith.constant 0 : i32
      %dma_wait3A_244 = tpu.memref_slice %arg4[%add3A_235, %dma_wait3A_242, %dma_wait3A_243] : memref<4096x200x64xf32, #tpu.memory_space<hbm>> -> memref<1x200x64xf32, #tpu.memory_space<hbm>>
      %dma_wait3A_245 = tpu.memref_squeeze %dma_wait3A_244 : memref<1x200x64xf32, #tpu.memory_space<hbm>> -> memref<200x64xf32, #tpu.memory_space<hbm>>
      %dma_wait3A_246 = tpu.memref_slice %arg9[%dma_wait3A_237] : memref<4x!tpu.dma_semaphore, #tpu.memory_space<semaphore_mem>> -> memref<1x!tpu.dma_semaphore, #tpu.memory_space<semaphore_mem>>
      %dma_wait3A_247 = tpu.memref_squeeze %dma_wait3A_246 : memref<1x!tpu.dma_semaphore, #tpu.memory_space<semaphore_mem>> -> memref<!tpu.dma_semaphore, #tpu.memory_space<semaphore_mem>>
      %dma_wait3A_248 = arith.constant 0 : i32
      %dma_wait3A_249 = arith.constant 0 : i32
      %dma_wait3A_250 = tpu.memref_slice %arg4[%add3A_235, %dma_wait3A_248, %dma_wait3A_249] : memref<4096x200x64xf32, #tpu.memory_space<hbm>> -> memref<1x200x64xf32, #tpu.memory_space<hbm>>
      %dma_wait3A_251 = tpu.memref_squeeze %dma_wait3A_250 : memref<1x200x64xf32, #tpu.memory_space<hbm>> -> memref<200x64xf32, #tpu.memory_space<hbm>>
      %dma_wait3A_252 = arith.constant 0 : i32
      %dma_wait3A_253 = arith.constant 0 : i32
      %dma_wait3A_254 = tpu.memref_slice %arg6[%dma_wait3A_236, %dma_wait3A_252, %dma_wait3A_253] : memref<4x200x64xf32, #tpu.memory_space<vmem>> -> memref<1x200x64xf32, #tpu.memory_space<vmem>>
      %dma_wait3A_255 = tpu.memref_squeeze %dma_wait3A_254 : memref<1x200x64xf32, #tpu.memory_space<vmem>> -> memref<200x64xf32, #tpu.memory_space<vmem>>
      tpu.wait_dma2 semaphore(%dma_wait3A_247 : memref<!tpu.dma_semaphore, #tpu.memory_space<semaphore_mem>>) src(%dma_wait3A_255 : memref<200x64xf32, #tpu.memory_space<vmem>>) dst(%dma_wait3A_251 : memref<200x64xf32, #tpu.memory_space<hbm>>)
      %add3A_256 = arith.constant 4 : i32
      %add3A_257 = arith.addi %add3A_234, %add3A_256 : i32
      %lt3A = arith.constant 128 : i32
      %lt3A_258 = arith.cmpi slt, %add3A_257, %lt3A : i32
      %convert_element_type3A = arith.extui %lt3A_258 : i1 to i32
      %cond3A = arith.constant 0 : i32
      %cond3A_259 = arith.cmpi ne, %convert_element_type3A, %cond3A : i32
      scf.if %cond3A_259 {
        %dma_start3A_356 = arith.constant 0 : i32
        %dma_start3A_357 = arith.constant 0 : i32
        %dma_start3A_358 = arith.constant 0 : i32
        %dma_start3A_359 = arith.constant 0 : i32
        %dma_start3A_360 = tpu.memref_slice %arg6[%dma_start3A_356, %dma_start3A_358, %dma_start3A_359] : memref<4x200x64xf32, #tpu.memory_space<vmem>> -> memref<1x200x64xf32, #tpu.memory_space<vmem>>
        %dma_start3A_361 = tpu.memref_squeeze %dma_start3A_360 : memref<1x200x64xf32, #tpu.memory_space<vmem>> -> memref<200x64xf32, #tpu.memory_space<vmem>>
        %dma_start3A_362 = arith.constant 0 : i32
        %dma_start3A_363 = tpu.memref_slice %arg5[%add3A_257, %dma_start3A_362] : memref<128x200xi32, #tpu.memory_space<vmem>> -> memref<1x200xi32, #tpu.memory_space<vmem>>
        %dma_start3A_364 = tpu.memref_squeeze %dma_start3A_363 : memref<1x200xi32, #tpu.memory_space<vmem>> -> memref<200xi32, #tpu.memory_space<vmem>>
        %dma_start3A_365 = arith.constant 0 : i32
        %dma_start3A_366 = arith.constant 0 : i32
        %dma_start3A_367 = tpu.memref_slice %arg2[%dma_start3A_365, %dma_start3A_366] : memref<100000x64xf32, #tpu.memory_space<hbm>> -> memref<100000x64xf32, #tpu.memory_space<hbm>>
        %dma_start3A_368 = tpu.memref_slice %arg8[%dma_start3A_357] : memref<4x!tpu.dma_semaphore, #tpu.memory_space<semaphore_mem>> -> memref<1x!tpu.dma_semaphore, #tpu.memory_space<semaphore_mem>>
        %dma_start3A_369 = tpu.memref_squeeze %dma_start3A_368 : memref<1x!tpu.dma_semaphore, #tpu.memory_space<semaphore_mem>> -> memref<!tpu.dma_semaphore, #tpu.memory_space<semaphore_mem>>
        tpu.enqueue_indirect_dma source(%dma_start3A_367 : memref<100000x64xf32, #tpu.memory_space<hbm>>) target(%dma_start3A_361 : memref<200x64xf32, #tpu.memory_space<vmem>>) offsets(%dma_start3A_364 : memref<200xi32, #tpu.memory_space<vmem>>) semaphore(%dma_start3A_369 : memref<!tpu.dma_semaphore, #tpu.memory_space<semaphore_mem>>)
      } else {
      }
      %mul3A_260 = arith.constant 4 : i32
      %mul3A_261 = arith.muli %scan3A_74, %mul3A_260 : i32
      %add3A_262 = arith.constant 1 : i32
      %add3A_263 = arith.addi %mul3A_261, %add3A_262 : i32
      %add3A_264 = arith.addi %mul3A_2, %add3A_263 : i32
      %dma_wait3A_265 = arith.constant 1 : i32
      %dma_wait3A_266 = arith.constant 1 : i32
      %dma_wait3A_267 = arith.constant 0 : i32
      %dma_wait3A_268 = arith.constant 0 : i32
      %dma_wait3A_269 = tpu.memref_slice %arg6[%dma_wait3A_265, %dma_wait3A_267, %dma_wait3A_268] : memref<4x200x64xf32, #tpu.memory_space<vmem>> -> memref<1x200x64xf32, #tpu.memory_space<vmem>>
      %dma_wait3A_270 = tpu.memref_squeeze %dma_wait3A_269 : memref<1x200x64xf32, #tpu.memory_space<vmem>> -> memref<200x64xf32, #tpu.memory_space<vmem>>
      %dma_wait3A_271 = arith.constant 0 : i32
      %dma_wait3A_272 = arith.constant 0 : i32
      %dma_wait3A_273 = tpu.memref_slice %arg4[%add3A_264, %dma_wait3A_271, %dma_wait3A_272] : memref<4096x200x64xf32, #tpu.memory_space<hbm>> -> memref<1x200x64xf32, #tpu.memory_space<hbm>>
      %dma_wait3A_274 = tpu.memref_squeeze %dma_wait3A_273 : memref<1x200x64xf32, #tpu.memory_space<hbm>> -> memref<200x64xf32, #tpu.memory_space<hbm>>
      %dma_wait3A_275 = tpu.memref_slice %arg9[%dma_wait3A_266] : memref<4x!tpu.dma_semaphore, #tpu.memory_space<semaphore_mem>> -> memref<1x!tpu.dma_semaphore, #tpu.memory_space<semaphore_mem>>
      %dma_wait3A_276 = tpu.memref_squeeze %dma_wait3A_275 : memref<1x!tpu.dma_semaphore, #tpu.memory_space<semaphore_mem>> -> memref<!tpu.dma_semaphore, #tpu.memory_space<semaphore_mem>>
      %dma_wait3A_277 = arith.constant 0 : i32
      %dma_wait3A_278 = arith.constant 0 : i32
      %dma_wait3A_279 = tpu.memref_slice %arg4[%add3A_264, %dma_wait3A_277, %dma_wait3A_278] : memref<4096x200x64xf32, #tpu.memory_space<hbm>> -> memref<1x200x64xf32, #tpu.memory_space<hbm>>
      %dma_wait3A_280 = tpu.memref_squeeze %dma_wait3A_279 : memref<1x200x64xf32, #tpu.memory_space<hbm>> -> memref<200x64xf32, #tpu.memory_space<hbm>>
      %dma_wait3A_281 = arith.constant 0 : i32
      %dma_wait3A_282 = arith.constant 0 : i32
      %dma_wait3A_283 = tpu.memref_slice %arg6[%dma_wait3A_265, %dma_wait3A_281, %dma_wait3A_282] : memref<4x200x64xf32, #tpu.memory_space<vmem>> -> memref<1x200x64xf32, #tpu.memory_space<vmem>>
      %dma_wait3A_284 = tpu.memref_squeeze %dma_wait3A_283 : memref<1x200x64xf32, #tpu.memory_space<vmem>> -> memref<200x64xf32, #tpu.memory_space<vmem>>
      tpu.wait_dma2 semaphore(%dma_wait3A_276 : memref<!tpu.dma_semaphore, #tpu.memory_space<semaphore_mem>>) src(%dma_wait3A_284 : memref<200x64xf32, #tpu.memory_space<vmem>>) dst(%dma_wait3A_280 : memref<200x64xf32, #tpu.memory_space<hbm>>)
      %add3A_285 = arith.constant 4 : i32
      %add3A_286 = arith.addi %add3A_263, %add3A_285 : i32
      %lt3A_287 = arith.constant 128 : i32
      %lt3A_288 = arith.cmpi slt, %add3A_286, %lt3A_287 : i32
      %convert_element_type3A_289 = arith.extui %lt3A_288 : i1 to i32
      %cond3A_290 = arith.constant 0 : i32
      %cond3A_291 = arith.cmpi ne, %convert_element_type3A_289, %cond3A_290 : i32
      scf.if %cond3A_291 {
        %dma_start3A_356 = arith.constant 1 : i32
        %dma_start3A_357 = arith.constant 1 : i32
        %dma_start3A_358 = arith.constant 0 : i32
        %dma_start3A_359 = arith.constant 0 : i32
        %dma_start3A_360 = tpu.memref_slice %arg6[%dma_start3A_356, %dma_start3A_358, %dma_start3A_359] : memref<4x200x64xf32, #tpu.memory_space<vmem>> -> memref<1x200x64xf32, #tpu.memory_space<vmem>>
        %dma_start3A_361 = tpu.memref_squeeze %dma_start3A_360 : memref<1x200x64xf32, #tpu.memory_space<vmem>> -> memref<200x64xf32, #tpu.memory_space<vmem>>
        %dma_start3A_362 = arith.constant 0 : i32
        %dma_start3A_363 = tpu.memref_slice %arg5[%add3A_286, %dma_start3A_362] : memref<128x200xi32, #tpu.memory_space<vmem>> -> memref<1x200xi32, #tpu.memory_space<vmem>>
        %dma_start3A_364 = tpu.memref_squeeze %dma_start3A_363 : memref<1x200xi32, #tpu.memory_space<vmem>> -> memref<200xi32, #tpu.memory_space<vmem>>
        %dma_start3A_365 = arith.constant 0 : i32
        %dma_start3A_366 = arith.constant 0 : i32
        %dma_start3A_367 = tpu.memref_slice %arg2[%dma_start3A_365, %dma_start3A_366] : memref<100000x64xf32, #tpu.memory_space<hbm>> -> memref<100000x64xf32, #tpu.memory_space<hbm>>
        %dma_start3A_368 = tpu.memref_slice %arg8[%dma_start3A_357] : memref<4x!tpu.dma_semaphore, #tpu.memory_space<semaphore_mem>> -> memref<1x!tpu.dma_semaphore, #tpu.memory_space<semaphore_mem>>
        %dma_start3A_369 = tpu.memref_squeeze %dma_start3A_368 : memref<1x!tpu.dma_semaphore, #tpu.memory_space<semaphore_mem>> -> memref<!tpu.dma_semaphore, #tpu.memory_space<semaphore_mem>>
        tpu.enqueue_indirect_dma source(%dma_start3A_367 : memref<100000x64xf32, #tpu.memory_space<hbm>>) target(%dma_start3A_361 : memref<200x64xf32, #tpu.memory_space<vmem>>) offsets(%dma_start3A_364 : memref<200xi32, #tpu.memory_space<vmem>>) semaphore(%dma_start3A_369 : memref<!tpu.dma_semaphore, #tpu.memory_space<semaphore_mem>>)
      } else {
      }
      %mul3A_292 = arith.constant 4 : i32
      %mul3A_293 = arith.muli %scan3A_74, %mul3A_292 : i32
      %add3A_294 = arith.constant 2 : i32
      %add3A_295 = arith.addi %mul3A_293, %add3A_294 : i32
      %add3A_296 = arith.addi %mul3A_2, %add3A_295 : i32
      %dma_wait3A_297 = arith.constant 2 : i32
      %dma_wait3A_298 = arith.constant 2 : i32
      %dma_wait3A_299 = arith.constant 0 : i32
      %dma_wait3A_300 = arith.constant 0 : i32
      %dma_wait3A_301 = tpu.memref_slice %arg6[%dma_wait3A_297, %dma_wait3A_299, %dma_wait3A_300] : memref<4x200x64xf32, #tpu.memory_space<vmem>> -> memref<1x200x64xf32, #tpu.memory_space<vmem>>
      %dma_wait3A_302 = tpu.memref_squeeze %dma_wait3A_301 : memref<1x200x64xf32, #tpu.memory_space<vmem>> -> memref<200x64xf32, #tpu.memory_space<vmem>>
      %dma_wait3A_303 = arith.constant 0 : i32
      %dma_wait3A_304 = arith.constant 0 : i32
      %dma_wait3A_305 = tpu.memref_slice %arg4[%add3A_296, %dma_wait3A_303, %dma_wait3A_304] : memref<4096x200x64xf32, #tpu.memory_space<hbm>> -> memref<1x200x64xf32, #tpu.memory_space<hbm>>
      %dma_wait3A_306 = tpu.memref_squeeze %dma_wait3A_305 : memref<1x200x64xf32, #tpu.memory_space<hbm>> -> memref<200x64xf32, #tpu.memory_space<hbm>>
      %dma_wait3A_307 = tpu.memref_slice %arg9[%dma_wait3A_298] : memref<4x!tpu.dma_semaphore, #tpu.memory_space<semaphore_mem>> -> memref<1x!tpu.dma_semaphore, #tpu.memory_space<semaphore_mem>>
      %dma_wait3A_308 = tpu.memref_squeeze %dma_wait3A_307 : memref<1x!tpu.dma_semaphore, #tpu.memory_space<semaphore_mem>> -> memref<!tpu.dma_semaphore, #tpu.memory_space<semaphore_mem>>
      %dma_wait3A_309 = arith.constant 0 : i32
      %dma_wait3A_310 = arith.constant 0 : i32
      %dma_wait3A_311 = tpu.memref_slice %arg4[%add3A_296, %dma_wait3A_309, %dma_wait3A_310] : memref<4096x200x64xf32, #tpu.memory_space<hbm>> -> memref<1x200x64xf32, #tpu.memory_space<hbm>>
      %dma_wait3A_312 = tpu.memref_squeeze %dma_wait3A_311 : memref<1x200x64xf32, #tpu.memory_space<hbm>> -> memref<200x64xf32, #tpu.memory_space<hbm>>
      %dma_wait3A_313 = arith.constant 0 : i32
      %dma_wait3A_314 = arith.constant 0 : i32
      %dma_wait3A_315 = tpu.memref_slice %arg6[%dma_wait3A_297, %dma_wait3A_313, %dma_wait3A_314] : memref<4x200x64xf32, #tpu.memory_space<vmem>> -> memref<1x200x64xf32, #tpu.memory_space<vmem>>
      %dma_wait3A_316 = tpu.memref_squeeze %dma_wait3A_315 : memref<1x200x64xf32, #tpu.memory_space<vmem>> -> memref<200x64xf32, #tpu.memory_space<vmem>>
      tpu.wait_dma2 semaphore(%dma_wait3A_308 : memref<!tpu.dma_semaphore, #tpu.memory_space<semaphore_mem>>) src(%dma_wait3A_316 : memref<200x64xf32, #tpu.memory_space<vmem>>) dst(%dma_wait3A_312 : memref<200x64xf32, #tpu.memory_space<hbm>>)
      %add3A_317 = arith.constant 4 : i32
      %add3A_318 = arith.addi %add3A_295, %add3A_317 : i32
      %lt3A_319 = arith.constant 128 : i32
      %lt3A_320 = arith.cmpi slt, %add3A_318, %lt3A_319 : i32
      %convert_element_type3A_321 = arith.extui %lt3A_320 : i1 to i32
      %cond3A_322 = arith.constant 0 : i32
      %cond3A_323 = arith.cmpi ne, %convert_element_type3A_321, %cond3A_322 : i32
      scf.if %cond3A_323 {
        %dma_start3A_356 = arith.constant 2 : i32
        %dma_start3A_357 = arith.constant 2 : i32
        %dma_start3A_358 = arith.constant 0 : i32
        %dma_start3A_359 = arith.constant 0 : i32
        %dma_start3A_360 = tpu.memref_slice %arg6[%dma_start3A_356, %dma_start3A_358, %dma_start3A_359] : memref<4x200x64xf32, #tpu.memory_space<vmem>> -> memref<1x200x64xf32, #tpu.memory_space<vmem>>
        %dma_start3A_361 = tpu.memref_squeeze %dma_start3A_360 : memref<1x200x64xf32, #tpu.memory_space<vmem>> -> memref<200x64xf32, #tpu.memory_space<vmem>>
        %dma_start3A_362 = arith.constant 0 : i32
        %dma_start3A_363 = tpu.memref_slice %arg5[%add3A_318, %dma_start3A_362] : memref<128x200xi32, #tpu.memory_space<vmem>> -> memref<1x200xi32, #tpu.memory_space<vmem>>
        %dma_start3A_364 = tpu.memref_squeeze %dma_start3A_363 : memref<1x200xi32, #tpu.memory_space<vmem>> -> memref<200xi32, #tpu.memory_space<vmem>>
        %dma_start3A_365 = arith.constant 0 : i32
        %dma_start3A_366 = arith.constant 0 : i32
        %dma_start3A_367 = tpu.memref_slice %arg2[%dma_start3A_365, %dma_start3A_366] : memref<100000x64xf32, #tpu.memory_space<hbm>> -> memref<100000x64xf32, #tpu.memory_space<hbm>>
        %dma_start3A_368 = tpu.memref_slice %arg8[%dma_start3A_357] : memref<4x!tpu.dma_semaphore, #tpu.memory_space<semaphore_mem>> -> memref<1x!tpu.dma_semaphore, #tpu.memory_space<semaphore_mem>>
        %dma_start3A_369 = tpu.memref_squeeze %dma_start3A_368 : memref<1x!tpu.dma_semaphore, #tpu.memory_space<semaphore_mem>> -> memref<!tpu.dma_semaphore, #tpu.memory_space<semaphore_mem>>
        tpu.enqueue_indirect_dma source(%dma_start3A_367 : memref<100000x64xf32, #tpu.memory_space<hbm>>) target(%dma_start3A_361 : memref<200x64xf32, #tpu.memory_space<vmem>>) offsets(%dma_start3A_364 : memref<200xi32, #tpu.memory_space<vmem>>) semaphore(%dma_start3A_369 : memref<!tpu.dma_semaphore, #tpu.memory_space<semaphore_mem>>)
      } else {
      }
      %mul3A_324 = arith.constant 4 : i32
      %mul3A_325 = arith.muli %scan3A_74, %mul3A_324 : i32
      %add3A_326 = arith.constant 3 : i32
      %add3A_327 = arith.addi %mul3A_325, %add3A_326 : i32
      %add3A_328 = arith.addi %mul3A_2, %add3A_327 : i32
      %dma_wait3A_329 = arith.constant 3 : i32
      %dma_wait3A_330 = arith.constant 3 : i32
      %dma_wait3A_331 = arith.constant 0 : i32
      %dma_wait3A_332 = arith.constant 0 : i32
      %dma_wait3A_333 = tpu.memref_slice %arg6[%dma_wait3A_329, %dma_wait3A_331, %dma_wait3A_332] : memref<4x200x64xf32, #tpu.memory_space<vmem>> -> memref<1x200x64xf32, #tpu.memory_space<vmem>>
      %dma_wait3A_334 = tpu.memref_squeeze %dma_wait3A_333 : memref<1x200x64xf32, #tpu.memory_space<vmem>> -> memref<200x64xf32, #tpu.memory_space<vmem>>
      %dma_wait3A_335 = arith.constant 0 : i32
      %dma_wait3A_336 = arith.constant 0 : i32
      %dma_wait3A_337 = tpu.memref_slice %arg4[%add3A_328, %dma_wait3A_335, %dma_wait3A_336] : memref<4096x200x64xf32, #tpu.memory_space<hbm>> -> memref<1x200x64xf32, #tpu.memory_space<hbm>>
      %dma_wait3A_338 = tpu.memref_squeeze %dma_wait3A_337 : memref<1x200x64xf32, #tpu.memory_space<hbm>> -> memref<200x64xf32, #tpu.memory_space<hbm>>
      %dma_wait3A_339 = tpu.memref_slice %arg9[%dma_wait3A_330] : memref<4x!tpu.dma_semaphore, #tpu.memory_space<semaphore_mem>> -> memref<1x!tpu.dma_semaphore, #tpu.memory_space<semaphore_mem>>
      %dma_wait3A_340 = tpu.memref_squeeze %dma_wait3A_339 : memref<1x!tpu.dma_semaphore, #tpu.memory_space<semaphore_mem>> -> memref<!tpu.dma_semaphore, #tpu.memory_space<semaphore_mem>>
      %dma_wait3A_341 = arith.constant 0 : i32
      %dma_wait3A_342 = arith.constant 0 : i32
      %dma_wait3A_343 = tpu.memref_slice %arg4[%add3A_328, %dma_wait3A_341, %dma_wait3A_342] : memref<4096x200x64xf32, #tpu.memory_space<hbm>> -> memref<1x200x64xf32, #tpu.memory_space<hbm>>
      %dma_wait3A_344 = tpu.memref_squeeze %dma_wait3A_343 : memref<1x200x64xf32, #tpu.memory_space<hbm>> -> memref<200x64xf32, #tpu.memory_space<hbm>>
      %dma_wait3A_345 = arith.constant 0 : i32
      %dma_wait3A_346 = arith.constant 0 : i32
      %dma_wait3A_347 = tpu.memref_slice %arg6[%dma_wait3A_329, %dma_wait3A_345, %dma_wait3A_346] : memref<4x200x64xf32, #tpu.memory_space<vmem>> -> memref<1x200x64xf32, #tpu.memory_space<vmem>>
      %dma_wait3A_348 = tpu.memref_squeeze %dma_wait3A_347 : memref<1x200x64xf32, #tpu.memory_space<vmem>> -> memref<200x64xf32, #tpu.memory_space<vmem>>
      tpu.wait_dma2 semaphore(%dma_wait3A_340 : memref<!tpu.dma_semaphore, #tpu.memory_space<semaphore_mem>>) src(%dma_wait3A_348 : memref<200x64xf32, #tpu.memory_space<vmem>>) dst(%dma_wait3A_344 : memref<200x64xf32, #tpu.memory_space<hbm>>)
      %add3A_349 = arith.constant 4 : i32
      %add3A_350 = arith.addi %add3A_327, %add3A_349 : i32
      %lt3A_351 = arith.constant 128 : i32
      %lt3A_352 = arith.cmpi slt, %add3A_350, %lt3A_351 : i32
      %convert_element_type3A_353 = arith.extui %lt3A_352 : i1 to i32
      %cond3A_354 = arith.constant 0 : i32
      %cond3A_355 = arith.cmpi ne, %convert_element_type3A_353, %cond3A_354 : i32
      scf.if %cond3A_355 {
        %dma_start3A_356 = arith.constant 3 : i32
        %dma_start3A_357 = arith.constant 3 : i32
        %dma_start3A_358 = arith.constant 0 : i32
        %dma_start3A_359 = arith.constant 0 : i32
        %dma_start3A_360 = tpu.memref_slice %arg6[%dma_start3A_356, %dma_start3A_358, %dma_start3A_359] : memref<4x200x64xf32, #tpu.memory_space<vmem>> -> memref<1x200x64xf32, #tpu.memory_space<vmem>>
        %dma_start3A_361 = tpu.memref_squeeze %dma_start3A_360 : memref<1x200x64xf32, #tpu.memory_space<vmem>> -> memref<200x64xf32, #tpu.memory_space<vmem>>
        %dma_start3A_362 = arith.constant 0 : i32
        %dma_start3A_363 = tpu.memref_slice %arg5[%add3A_350, %dma_start3A_362] : memref<128x200xi32, #tpu.memory_space<vmem>> -> memref<1x200xi32, #tpu.memory_space<vmem>>
        %dma_start3A_364 = tpu.memref_squeeze %dma_start3A_363 : memref<1x200xi32, #tpu.memory_space<vmem>> -> memref<200xi32, #tpu.memory_space<vmem>>
        %dma_start3A_365 = arith.constant 0 : i32
        %dma_start3A_366 = arith.constant 0 : i32
        %dma_start3A_367 = tpu.memref_slice %arg2[%dma_start3A_365, %dma_start3A_366] : memref<100000x64xf32, #tpu.memory_space<hbm>> -> memref<100000x64xf32, #tpu.memory_space<hbm>>
        %dma_start3A_368 = tpu.memref_slice %arg8[%dma_start3A_357] : memref<4x!tpu.dma_semaphore, #tpu.memory_space<semaphore_mem>> -> memref<1x!tpu.dma_semaphore, #tpu.memory_space<semaphore_mem>>
        %dma_start3A_369 = tpu.memref_squeeze %dma_start3A_368 : memref<1x!tpu.dma_semaphore, #tpu.memory_space<semaphore_mem>> -> memref<!tpu.dma_semaphore, #tpu.memory_space<semaphore_mem>>
        tpu.enqueue_indirect_dma source(%dma_start3A_367 : memref<100000x64xf32, #tpu.memory_space<hbm>>) target(%dma_start3A_361 : memref<200x64xf32, #tpu.memory_space<vmem>>) offsets(%dma_start3A_364 : memref<200xi32, #tpu.memory_space<vmem>>) semaphore(%dma_start3A_369 : memref<!tpu.dma_semaphore, #tpu.memory_space<semaphore_mem>>)
      } else {
      }
    }
    %scan3A_73 = arith.constant 32 : i32
    return
  }
}

</mosaic_0001>

<sc_bundles>
// kernel: _emb_lookup.3.cloned.1.call-start
scs
__scs_entry_jumppad:
0x0: {  	(pc) =	sbr.rel $0x88, $3  }
0x1: {  	(tag) =	ssettag $0x0;
	lr =	simm.s32 $0x1  }
0x2: {  	[smem:$0x3F9F] =	sst lr;
	_ =	strace $0xD0000000  }
0x3: {  	_ = 	snop  }
0x4: {  	_ = 	snop  }
0x5: {  	_ = 	snop  }
0x6: {  	_ = 	snop  }
0x7: {  	_ = 	snop  }
__scs_overlays_trampoline_lowered:
0x8: {  	[smem:$0x3FAE] =	sst s0  }
0x9: {  	[smem:$0x3FAF] =	sst s1  }
0xa: {  	[smem:$0x3FB0] =	sst s2  }
0xb: {  	[smem:$0x3FB1] =	sst s3  }
0xc: {  	[smem:$0x3FB2] =	sst s4  }
0xd: {  	[smem:$0x3FB3] =	sst s5  }
0xe: {  	[smem:$0x3FB4] =	sst s6  }
0xf: {  	[smem:$0x3FB5] =	sst s7  }
0x10: {  	[smem:$0x3FB6] =	sst s8  }
0x11: {  	[smem:$0x3FB7] =	sst s9;
	s0 =	simm.s32 @!p0 $0x0  }
0x12: {  	s1 =	sld [smem:$0x3F9D];
	s0 =	simm.s32 @p0 $0x1  }
0x13: {  	[smem:$0x3FB8] =	sst s0;
	s0 =	simm.s32 @!p1 $0x0  }
0x14: {  	s2 =	sld [smem:$0x3F9C];
	s0 =	simm.s32 @p1 $0x1  }
0x15: {  	[smem:$0x3FB9] =	sst s0;
	s0 =	simm.s32 @!p2 $0x0  }
0x16: {  	s3 =	sld [smem:$0x3FDB];
	s0 =	simm.s32 @p2 $0x1  }
0x17: {  	s4 =	simm.s32 $0x1BF5;
	[smem:$0x3FBB] =	sst s0  }
0x18: {  	s0 =	sld [smem:$0x3F9E];
	_ =	swait.ge [sflag:s4], $0x0  }
0x19: {  	s7 =	sld [smem:$0x3F9F]  }
0x1a: {  	s8 =	sadd.s32 $0xFFFFE003, lr  }
0x1b: {  	s9 =	sadd.s32 $0xFFFFFEF7, lr;
	s5 =	simm.s32 $0xFFFFFFFF;
	p2 =	slt.u32 s8, $0xFFFFF086  }
0x1c: {  	p1 =	slt.u32 s9, $0xF7A;
	s5 =	simm.s32 @!p2 $0x0  }
0x1d: {  	s5 =	simm.s32 @p1 $0x1;
	p0 =	seq.s32 s7, s2  }
0x1e: {  	s7 =	smul.u32 @!p0 $0xF7A, s2;
	p2 =	seq.s32 @!p0 s5, $0x0  }
0x1f: {  	s9 =	smul.u32 $0xF7A, s1;
	s8 =	simm.s32 @!p0 $0x1BF5;
	p2 =	por !p2, p0  }
0x20: {  	[sflag:s8] =	ssyncset.s32 @!p0 $0xFFFFF086;
	s6 =	sadd.s32 @!p0 s3, s7;
	s7 =	simm.s32 @!p0 $0x108  }
0x21: {  	s3 =	sadd.s32 s3, s9;
	s6 =	sadd.s32 @!p0 $0x88, s6;
	s7 =	simm.s32 @p2 $0x1082  }
0x22: {  	[simem:s7], [sflag:s8] =	dma.local @!p0 [hbm:s6], $0xF7A  }
0x23: {  	s9 =	sor.u32 $0xD0000000, s2;
	s6 =	simm.s32 $0x108;
	_ =	swait.ge @!p0 [sflag:s8], $0x0  }
0x24: {  	s3 =	sadd.s32 $0x88, s3;
	s6 =	simm.s32 @!p1 $0x1082;
	[sflag:s4] =	ssyncset.s32 $0xFFFFF086  }
0x25: {  	[simem:s6], [sflag:s4] =	dma.local [hbm:s3], $0xF7A  }
0x26: {  	[smem:$0x3F9F] =	sst s1;
	(tag) =	ssettag s2;
	_ =	strace s9  }
0x27: {  	s1 =	sld [smem:$0x3FAF]  }
0x28: {  	s2 =	sld [smem:$0x3FB0]  }
0x29: {  	s4 =	sld [smem:$0x3FB2]  }
0x2a: {  	p0 =	seq.s32 s5, $0x0;
	s5 =	sld [smem:$0x3FB3]  }
0x2b: {  	s6 =	sld [smem:$0x3FB4]  }
0x2c: {  	s7 =	sld [smem:$0x3FB5]  }
0x2d: {  	s3 =	simm.s32 $0x108;
	s8 =	sld [smem:$0x3FB6]  }
0x2e: {  	s3 =	simm.s32 @!p0 $0x1082;
	s9 =	sld [smem:$0x3FB7]  }
0x2f: {  	lr =	sadd.s32 s0, s3;
	s0 =	sld [smem:$0x3FAE]  }
0x30: {  	s3 =	sld [smem:$0x3FB1]  }
0x31: {  	[smem:$0x3FBA] =	sst s10  }
0x32: {  	s10 =	sld [smem:$0x3FB8];
	_ =	sdelay $0x3  }
0x33: {  	p0 =	seq.s32 s10, $0x1;
	s10 =	sld [smem:$0x3FBA];
	_ =	sdelay $0x3  }
0x34: {  	[smem:$0x3FBA] =	sst s10  }
0x35: {  	s10 =	sld [smem:$0x3FB9];
	_ =	sdelay $0x3  }
0x36: {  	p1 =	seq.s32 s10, $0x1;
	s10 =	sld [smem:$0x3FBA];
	_ =	sdelay $0x3  }
0x37: {  	[smem:$0x3FBA] =	sst s10  }
0x38: {  	s10 =	sld [smem:$0x3FBB]  }
0x39: {  	_ = 	snop;
	(pc) =	sbr.ind lr, $3  }
0x3a: {  	_ = 	snop  }
0x3b: {  	_ = 	snop  }
0x3c: {  	p2 =	seq.s32 s10, $0x1;
	s10 =	sld [smem:$0x3FBA]  }
0x3d: {  	_ =	shalt  }
0x3e: {  	_ =	shalt  }
0x3f: {  	_ =	shalt  }
0x40: {  	_ =	shalt  }
0x41: {  	_ =	shalt  }
0x42: {  	_ =	shalt  }
0x43: {  	_ =	shalt  }
0x44: {  	_ =	shalt  }
0x45: {  	_ =	shalt  }
0x46: {  	_ =	shalt  }
0x47: {  	_ =	shalt  }
0x48: {  	_ =	shalt  }
0x49: {  	_ =	shalt  }
0x4a: {  	_ =	shalt  }
0x4b: {  	_ =	shalt  }
0x4c: {  	_ =	shalt  }
0x4d: {  	_ =	shalt  }
0x4e: {  	_ =	shalt  }
0x4f: {  	_ =	shalt  }
0x50: {  	_ =	shalt  }
0x51: {  	_ =	shalt  }
0x52: {  	_ =	shalt  }
0x53: {  	_ =	shalt  }
0x54: {  	_ =	shalt  }
0x55: {  	_ =	shalt  }
0x56: {  	_ =	shalt  }
0x57: {  	_ =	shalt  }
0x58: {  	_ =	shalt  }
0x59: {  	_ =	shalt  }
0x5a: {  	_ =	shalt  }
0x5b: {  	_ =	shalt  }
0x5c: {  	_ =	shalt  }
0x5d: {  	_ =	shalt  }
0x5e: {  	_ =	shalt  }
0x5f: {  	_ =	shalt  }
0x60: {  	_ =	shalt  }
0x61: {  	_ =	shalt  }
0x62: {  	_ =	shalt  }
0x63: {  	_ =	shalt  }
0x64: {  	_ =	shalt  }
0x65: {  	_ =	shalt  }
0x66: {  	_ =	shalt  }
0x67: {  	_ =	shalt  }
0x68: {  	_ =	shalt  }
0x69: {  	_ =	shalt  }
0x6a: {  	_ =	shalt  }
0x6b: {  	_ =	shalt  }
0x6c: {  	_ =	shalt  }
0x6d: {  	_ =	shalt  }
0x6e: {  	_ =	shalt  }
0x6f: {  	_ =	shalt  }
0x70: {  	_ =	shalt  }
0x71: {  	_ =	shalt  }
0x72: {  	_ =	shalt  }
0x73: {  	_ =	shalt  }
0x74: {  	_ =	shalt  }
0x75: {  	_ =	shalt  }
0x76: {  	_ =	shalt  }
0x77: {  	_ =	shalt  }
0x78: {  	_ =	shalt  }
0x79: {  	_ =	shalt  }
0x7a: {  	_ =	shalt  }
0x7b: {  	_ =	shalt  }
0x7c: {  	_ =	shalt  }
0x7d: {  	_ =	shalt  }
0x7e: {  	_ =	shalt  }
0x7f: {  	_ =	shalt  }
0x80: {  	_ =	shalt  }
0x81: {  	_ =	shalt  }
0x82: {  	_ =	shalt  }
0x83: {  	_ =	shalt  }
0x84: {  	_ =	shalt  }
0x85: {  	_ =	shalt  }
0x86: {  	_ =	shalt  }
0x87: {  	_ =	shalt  }
.Lfunc_end0:
.L_simem_size_0:
called_computation.1_lowered:
.L_overlay_start_0:
0x88: {  	s2 =	sld [smem:$0x3FD9]  }
0x89: {  	s3 =	sld [smem:$0x3FFE];
	_ =	sdelay $0x1  }
0x8a: {  	s1 =	srdreg.scid  }
0x8b: {  	s0 =	sand.u32 $0x1, s1  }
0x8c: {  	s17 =	sshll.u32 s0, $0xA;
	s2 =	sadd.s32 s3, s2  }
0x8d: {  	s2 =	sadd.s32 s2, s17  }
0x8e: {  	[smem:$0x3FC6] =	sst s2  }
0x8f: {  	_ = 	snop  }
0x90: {  	s2 =	sld [smem:$0x3FD0];
	(tm) =	ssettm $0x1  }
0x91: {  	s18 =	sld [smem:$0x3FFB];
	_ =	sdelay $0x3  }
0x92: {  	_ =	strace s18  }
0x93: {  	s3 =	sld [smem:$0x3FFC];
	_ =	sdelay $0x3  }
0x94: {  	_ =	strace s3  }
0x95: {  	s3 =	sld [smem:$0x3FFD];
	_ =	sdelay $0x3  }
0x96: {  	_ =	strace s3  }
0x97: {  	_ =	strace $0x8FFFFFFF  }
0x98: {  	s19 =	sld [smem:$0x3FDB];
	_ =	sdelay $0x1  }
0x99: {  	s4 =	simm.s32 $_scs_section_size  }
0x9a: {  	s5 =	simm.s32 $_size__tile_overlayer_lowered;
	s6 =	simm.s32 $_tile_overlayer_lowered  }
0x9b: {  	s22 =	simm.s32 $0x1BFF;
	s21 =	sshll.u32 s6, $0x1;
	s3 =	sadd.s32 s4, s19  }
0x9c: {  	s7 =	simm.s32 $0x0;
	s20 =	sshll.u32 s5, $0x1;
	s5 =	sadd.s32 s21, s3  }
0x9d: {  	[timem:s7], [sflag:s22] =	dma.local [hbm:s5], s20  }
0x9e: {  	_ =	swait.ge [sflag:s22], s20  }
0x9f: {  	s4 =	ssub.s32 $0x0, s20;
	[sflag:s22] =	ssyncset.done $0x0  }
0xa0: {  	[sflag:s22] =	ssyncadd.s32 s4;
	_ =	sdelay $0x1  }
0xa1: {  	s23 =	simm.s32 $0x1B8B  }
0xa2: {  	_ =	swait.ge [sflag:s23], $0x1  }
0xa3: {  	[sflag:s23] =	ssyncset.done $0x0  }
0xa4: {  	s25 =	simm.s32 $0x1B8E;
	s24 =	sld [smem:$0x3FFE];
	[sflag:s23] =	ssyncadd.s32 $0xFFFFFFFF  }
0xa5: {  	s26 =	simm.s32 $execute0_lowered;
	[smem:$0x3FD2] =	sst s25  }
0xa6: {  	s5 =	sshll.u32 s26, $0x1;
	_ =	strace $0x80000046;
	[dreg:$0x1] =	wrdreg $0xFFFFFFFF  }
0xa7: {  	s28 =	simm.s32 $_size_execute0_lowered;
	s3 =	sadd.s32 s3, s5;
	[dreg:$0x0] =	wrdreg $0x0  }
0xa8: {  	s5 =	sshll.u32 s28, $0x1;
	[dreg:$0x2] =	wrdreg s3  }
0xa9: {  	[dreg:$0x3] =	wrdreg s5  }
0xaa: {  	[dreg:$0x4] =	wrdreg $0xC0  }
0xab: {  	_ =	task [dreg:s7], $0x5FFFF  }
0xac: {  	[dreg:$0x1] =	wrdreg $0xFFFFFFFF  }
0xad: {  	[dreg:$0x0] =	wrdreg $0x60  }
0xae: {  	[dreg:$0x2] =	wrdreg s24  }
0xaf: {  	[dreg:$0x3] =	wrdreg s2  }
0xb0: {  	[dreg:$0x4] =	wrdreg $0x9  }
0xb1: {  	_ =	task.clear_ibuf [dreg:s7], $0x5FFFF;
	_ =	strace $0x90000046  }
0xb2: {  	s29 =	simm.s32 $0x9;
	_ =	strace $0x80000048  }
0xb3: {  	_ =	swait.ge [sflag:s29], $0x1  }
0xb4: {  	[sflag:s29] =	ssyncadd.s32 $0xFFFFFFFF  }
0xb5: {  	_ =	strace $0x90000048  }
0xb6: {  	_ =	sfence  }
0xb7: {  	s30 =	sld [smem:$0x0];
	_ =	sdelay $0x2  }
0xb8: {  	s31 =	sshll.u32 s1, $0xD;
	s1 =	sshrl.u32 s1, $0x2  }
0xb9: {  	s3 =	sand.u32 $0x4000, s31;
	s1 =	sadd.s32 s1, s30  }
0xba: {  	s0 =	sor.u32 s3, s0;
	s1 =	sshll.u32 s1, $0x11  }
0xbb: {  	s0 =	sor.u32 s1, s0  }
0xbc: {  	s0 =	sadd.s32 $0x8F2B, s0  }
0xbd: {  	[sflag:s0] =	ssyncadd.remote.s32 $0x1  }
0xbe: {  	_ =	sfence.sel $0xFFFF  }
0xbf: {  	[dreg:$0x0] =	wrdreg $0xFFFFFFFF;
	(pc) =	sbr.abs _section_cstart, $3  }
0xc0: {  	[dreg:$0x1] =	wrdreg $0xFFFFFFFF  }
0xc1: {  	_ =	task.clear_ibuf [dreg:s7], $0x2FFFF;
	_ =	strace $0x9FFFFFFF  }
0xc2: {  	(tm) =	ssettm $0x7FFFFFFF  }
0xc3: {  	_ =	shalt  }
tec
execute0_lowered:
.L_overlay_start_1:
0x0: {  	(tag) =	ssettag $0x1  }
0x1: {  	s4 =	rddreg [dreg:$0x0]  }
0x2: {  	s6 =	rddreg [dreg:$0x1];
	s2 =	srdreg.scid  }
0x3: {  	s0 =	rddreg [dreg:$0x2];
	s1 =	stileid.u32;
	s11 =	simm.s32 $0x190  }
0x4: {  	s12 =	simm.s32 $0xC800;
	s13 =	simm.s32 $0x258;
	s14 =	simm.s32 $0xFA00  }
0x5: {  	s15 =	simm.s32 $0x2;
	s16 =	simm.s32 $0x3;
	s17 =	simm.s32 $0x4  }
0x6: {  	s18 =	simm.s32 $0x5;
	s19 =	simm.s32 $0x6;
	s20 =	simm.s32 $0x7  }
0x7: {  	s21 =	simm.s32 $0x8;
	s22 =	simm.s32 $0x9;
	s23 =	simm.s32 $0x0  }
0x8: {  	s5 =	sand.u32 $0x1, s2;
	s2 =	simm.s32 $0x0;
	s3 =	sshll.u32 s1, $0x8  }
0x9: {  	s10 =	smul.u32 $0x64000, s1;
	s7 =	sshll.u32 s5, $0x7;
	[smem:$0x7FF] =	sst s2  }
0xa: {  	s8 =	ssub.s32 $0x2, s5;
	s31 =	smul.u32 $0x32000, s5;
	s3 =	sor.u32 s7, s3  }
.Ltmp0:
0xb: {  	_ =	strace $0x80000047;
	s9 =	sshrl.u32 s8, $0x1;
	(pc) =	sbr.rel .LBB2_1-.Ltmp0, $4  }
0xc: {  	s6 =	sadd.s32 s10, s6;
	s10 =	simm.s32 $0x9600;
	s7 =	smul.u32 $0x19, s3  }
0xd: {  	s3 =	sadd.s32 $0x19800, s4;
	s30 =	ssub.s32 s8, s9;
	s6 =	sadd.s32 s31, s6  }
0xe: {  	s8 =	simm.s32 $0xC8;
	s9 =	simm.s32 $0x6400;
	s4 =	sadd.s32 s7, s4  }
0xf: {  	s5 =	smax.u32 s30, $0x1;
	s7 =	simm.s32 $0x1;
	s4 =	sadd.s32 $0x800, s4  }
.LBB2_4:
0x10: {  	_ =	swait.ge [sflag:s20], $0x3200  }
0x11: {  	[sflag:s20] =	ssyncset.done $0x0  }
0x12: {  	s23 =	sadd.s32 $0x1, s23;
	[sflag:s20] =	ssyncadd.s32 $0xFFFFCE00  }
0x13: {  	p0 =	sne.s32 s23, s5;
	_ =	swait.ge [sflag:s21], $0x3200  }
.Ltmp1:
0x14: {  	[sflag:s21] =	ssyncset.done $0x0;
	(pc) =	sbr.rel @!p0 .LBB2_5-.Ltmp1, $4  }
0x15: {  	[sflag:s21] =	ssyncadd.s32 $0xFFFFCE00  }
0x16: {  	_ =	swait.ge [sflag:s22], $0x3200  }
0x17: {  	[sflag:s22] =	ssyncset.done $0x0  }
0x18: {  	[sflag:s22] =	ssyncadd.s32 $0xFFFFCE00  }
.LBB2_1:
0x19: {  	[tilespmem:s2], [sflag:$0x1] =	stream.linear.gather [hbm4b:s4+s2], $0x6400, $0x38;
	[tilespmem:$0x12C00] =	vst v63  }
0x1a: {  	_ =	swait.ge [sflag:s7], $0x6400  }
0x1b: {  	[sflag:s7] =	ssyncset.done $0x0  }
0x1c: {  	[sflag:s7] =	ssyncadd.s32 $0xFFFF9C00  }
0x1d: {  	[tilespmem:s9], [sflag:$0x2] =	stream.indirect.gather [hbm4b:s3+s8], $0x40, s2, s8, $0xb8;
	[tilespmem:$0x12C00] =	vst v63  }
0x1e: {  	_ = 	snop  }
0x1f: {  	[tilespmem:s10], [sflag:$0x3] =	stream.indirect.gather [hbm4b:s3+s8], $0x40, s8, s8, $0xb8;
	[tilespmem:$0x12C00] =	vst v63  }
0x20: {  	_ = 	snop  }
0x21: {  	[tilespmem:s12], [sflag:$0x4] =	stream.indirect.gather [hbm4b:s3+s8], $0x40, s11, s8, $0xb8;
	[tilespmem:$0x12C00] =	vst v63  }
0x22: {  	s24 =	smov.u32 s6;
	s25 =	simm.s32 $0x0  }
0x23: {  	[tilespmem:s14], [sflag:$0x5] =	stream.indirect.gather [hbm4b:s3+s8], $0x40, s13, s8, $0xb8;
	[tilespmem:$0x12C00] =	vst v63  }
.LBB2_2:
0x24: {  	_ =	swait.ge [sflag:s15], $0x3200  }
0x25: {  	[sflag:s15] =	ssyncset.done $0x0  }
0x26: {  	[sflag:s15] =	ssyncadd.s32 $0xFFFFCE00  }
0x27: {  	[hbm4b:s24+s2] =	stream.linear.scatter [tilespmem:s9], [sflag:$0x6], $0x3200, $0x38;
	[tilespmem:$0x12C00] =	vst v63  }
0x28: {  	_ =	swait.ge [sflag:s16], $0x3200  }
0x29: {  	[sflag:s16] =	ssyncset.done $0x0  }
0x2a: {  	s26 =	sadd.s32 $0x640, s24;
	[sflag:s16] =	ssyncadd.s32 $0xFFFFCE00  }
0x2b: {  	[hbm4b:s26+s2] =	stream.linear.scatter [tilespmem:s10], [sflag:$0x7], $0x3200, $0x38;
	[tilespmem:$0x12C00] =	vst v63  }
0x2c: {  	_ =	swait.ge [sflag:s17], $0x3200  }
0x2d: {  	[sflag:s17] =	ssyncset.done $0x0  }
0x2e: {  	s30 =	sadd.s32 $0xC80, s24;
	[sflag:s17] =	ssyncadd.s32 $0xFFFFCE00  }
0x2f: {  	[hbm4b:s30+s2] =	stream.linear.scatter [tilespmem:s12], [sflag:$0x8], $0x3200, $0x38;
	[tilespmem:$0x12C00] =	vst v63  }
0x30: {  	_ =	swait.ge [sflag:s18], $0x3200  }
0x31: {  	p0 =	seq.s32 s25, $0x18380;
	[sflag:s18] =	ssyncset.done $0x0  }
.Ltmp2:
0x32: {  	s31 =	sadd.s32 $0x12C0, s24;
	[sflag:s18] =	ssyncadd.s32 $0xFFFFCE00;
	(pc) =	sbr.rel @p0 .LBB2_4-.Ltmp2, $4  }
0x33: {  	[hbm4b:s31+s2] =	stream.linear.scatter [tilespmem:s14], [sflag:$0x9], $0x3200, $0x38;
	[tilespmem:$0x12C00] =	vst v63  }
0x34: {  	_ =	swait.ge [sflag:s19], $0x3200  }
0x35: {  	[sflag:s19] =	ssyncset.done $0x0  }
0x36: {  	[sflag:s19] =	ssyncadd.s32 $0xFFFFCE00  }
0x37: {  	s26 =	sshra.s32 s25, $0x2  }
0x38: {  	s28 =	sadd.s32 $0x320, s26  }
0x39: {  	[tilespmem:s9], [sflag:$0x2] =	stream.indirect.gather [hbm4b:s3+s8], $0x40, s28, s8, $0xb8;
	[tilespmem:$0x12C00] =	vst v63  }
0x3a: {  	_ =	swait.ge [sflag:s20], $0x3200  }
0x3b: {  	[sflag:s20] =	ssyncset.done $0x0  }
0x3c: {  	s30 =	sadd.s32 $0x3E8, s26;
	[sflag:s20] =	ssyncadd.s32 $0xFFFFCE00  }
0x3d: {  	[tilespmem:s10], [sflag:$0x3] =	stream.indirect.gather [hbm4b:s3+s8], $0x40, s30, s8, $0xb8;
	[tilespmem:$0x12C00] =	vst v63  }
0x3e: {  	_ =	swait.ge [sflag:s21], $0x3200  }
0x3f: {  	[sflag:s21] =	ssyncset.done $0x0  }
0x40: {  	s31 =	sadd.s32 $0x4B0, s26;
	[sflag:s21] =	ssyncadd.s32 $0xFFFFCE00  }
0x41: {  	[tilespmem:s12], [sflag:$0x4] =	stream.indirect.gather [hbm4b:s3+s8], $0x40, s31, s8, $0xb8;
	[tilespmem:$0x12C00] =	vst v63  }
.Ltmp3:
0x42: {  	_ = 	snop;
	(pc) =	sbr.rel .LBB2_2-.Ltmp3, $4  }
0x43: {  	_ =	swait.ge [sflag:s22], $0x3200  }
0x44: {  	s25 =	sadd.s32 $0xC80, s25;
	[sflag:s22] =	ssyncset.done $0x0  }
0x45: {  	s24 =	sadd.s32 $0x1900, s24;
	s26 =	sadd.s32 $0x578, s26;
	[sflag:s22] =	ssyncadd.s32 $0xFFFFCE00  }
0x46: {  	[tilespmem:s14], [sflag:$0x5] =	stream.indirect.gather [hbm4b:s3+s8], $0x40, s26, s8, $0xb8;
	[tilespmem:$0x12C00] =	vst v63  }
.LBB2_5:
0x47: {  	_ =	sfence.sel $0x180000  }
0x48: {  	[bflag:$0x0] =	sbarrier.arrive $0xFFFF  }
0x49: {  	p0 =	sne.s32 s1, $0x0;
	_ =	strace $0x90000047  }
0x4a: {  	s0 =	sadd.s32 @!p0 $0x100000, s0;
	[bflag:$0x2] =	sbarrier.arrive $0xFFFF  }
0x4b: {  	[sflag:s0] =	ssyncadd.tile.s32 @!p0 $0x1;
	_ =	shalt  }
.Lfunc_end2:
_tile_overlayer_lowered:
.L_overlay_start_2:
0x4c: {  	(tag) =	ssettag $0x2  }
0x4d: {  	s0 =	rddreg [dreg:$0x0];
	s2 =	stileid.u32  }
0x4e: {  	s1 =	rddreg [dreg:$0x1];
	p0 =	sne.s32 s2, $0x0  }
0x4f: {  	s3 =	rddreg [dreg:$0x2];
	[bflag:$0x3] =	sbarrier.arrive $0xFFFF;
	s2 =	simm.s32 @!p0 $0x1C0A  }
0x50: {  	[timem:s3], [sflag:s2] =	dma.local @!p0 [hbm:s0], s1  }
0x51: {  	s0 =	simm.s32 @!p0 $0xA  }
0x52: {  	_ =	swait.ge @!p0 [sflag:s0], s1  }
0x53: {  	s1 =	ssub.s32 @!p0 $0x0, s1;
	[sflag:s0] =	ssyncset.done @!p0 $0x0  }
0x54: {  	[sflag:s0] =	ssyncadd.s32 @!p0 s1  }
0x55: {  	[bflag:$0x3] =	sbarrier.arrive $0xFFFF  }
0x56: {  	_ =	shalt  }

// kernel: sparse-core-data-format-call.cloned.1.call-start
scs
called_computation_lowered:
.L_overlay_start_0:
0x0: {  	s2 =	sld [smem:$0x3FD9]  }
0x1: {  	s3 =	sld [smem:$0x3FFE];
	_ =	sdelay $0x1  }
0x2: {  	s1 =	srdreg.scid  }
0x3: {  	s0 =	sand.u32 $0x1, s1  }
0x4: {  	s18 =	sshll.u32 s0, $0xA;
	s2 =	sadd.s32 s3, s2  }
0x5: {  	s2 =	sadd.s32 s2, s18  }
0x6: {  	[smem:$0x3FC6] =	sst s2  }
0x7: {  	_ = 	snop  }
0x8: {  	s2 =	sld [smem:$0x3FD0];
	(tm) =	ssettm $0x1  }
0x9: {  	s19 =	sld [smem:$0x3FFB];
	_ =	sdelay $0x3  }
0xa: {  	_ =	strace s19  }
0xb: {  	s3 =	sld [smem:$0x3FFC];
	_ =	sdelay $0x3  }
0xc: {  	_ =	strace s3  }
0xd: {  	s3 =	sld [smem:$0x3FFD];
	_ =	sdelay $0x3  }
0xe: {  	_ =	strace s3  }
0xf: {  	_ =	strace $0x8FFFFFFF  }
0x10: {  	s20 =	sld [smem:$0x3FDB];
	_ =	sdelay $0x1  }
0x11: {  	s4 =	simm.s32 $_scs_section_size  }
0x12: {  	s5 =	simm.s32 $_size__tile_overlayer_lowered;
	s6 =	simm.s32 $_tile_overlayer_lowered  }
0x13: {  	s23 =	simm.s32 $0x1BFF;
	s22 =	sshll.u32 s6, $0x1;
	s3 =	sadd.s32 s4, s20  }
0x14: {  	s7 =	simm.s32 $0x0;
	s21 =	sshll.u32 s5, $0x1;
	s5 =	sadd.s32 s22, s3  }
0x15: {  	[timem:s7], [sflag:s23] =	dma.local [hbm:s5], s21  }
0x16: {  	_ =	swait.ge [sflag:s23], s21  }
0x17: {  	s4 =	ssub.s32 $0x0, s21;
	[sflag:s23] =	ssyncset.done $0x0  }
0x18: {  	[sflag:s23] =	ssyncadd.s32 s4;
	_ =	sdelay $0x1  }
0x19: {  	s24 =	simm.s32 $0x1B8B  }
0x1a: {  	_ =	swait.ge [sflag:s24], $0x1  }
0x1b: {  	[sflag:s24] =	ssyncset.done $0x0  }
0x1c: {  	s26 =	simm.s32 $0x1B8E;
	s25 =	sld [smem:$0x3FFE];
	[sflag:s24] =	ssyncadd.s32 $0xFFFFFFFF  }
0x1d: {  	s27 =	simm.s32 $execute0_lowered;
	[smem:$0x3FD2] =	sst s26  }
0x1e: {  	s5 =	sshll.u32 s27, $0x1;
	_ =	strace $0x80000049;
	[dreg:$0x1] =	wrdreg $0xFFFFFFFF  }
0x1f: {  	s28 =	simm.s32 $_size_execute0_lowered;
	s3 =	sadd.s32 s3, s5;
	[dreg:$0x0] =	wrdreg $0x0  }
0x20: {  	s5 =	sshll.u32 s28, $0x1;
	[dreg:$0x2] =	wrdreg s3  }
0x21: {  	[dreg:$0x3] =	wrdreg s5  }
0x22: {  	[dreg:$0x4] =	wrdreg $0xC0  }
0x23: {  	_ =	task [dreg:s7], $0x5FFFF  }
0x24: {  	[dreg:$0x1] =	wrdreg $0xFFFFFFFF  }
0x25: {  	[dreg:$0x0] =	wrdreg $0x60  }
0x26: {  	[dreg:$0x2] =	wrdreg s25  }
0x27: {  	[dreg:$0x3] =	wrdreg s2  }
0x28: {  	[dreg:$0x4] =	wrdreg $0x9  }
0x29: {  	_ =	task.clear_ibuf [dreg:s7], $0x5FFFF;
	_ =	strace $0x90000049  }
0x2a: {  	s29 =	simm.s32 $0x9;
	_ =	strace $0x8000004B  }
0x2b: {  	_ =	swait.ge [sflag:s29], $0x1  }
0x2c: {  	[sflag:s29] =	ssyncadd.s32 $0xFFFFFFFF  }
0x2d: {  	_ =	strace $0x9000004B  }
0x2e: {  	_ =	sfence  }
0x2f: {  	s30 =	sld [smem:$0x0];
	_ =	sdelay $0x2  }
0x30: {  	s31 =	sshll.u32 s1, $0xD;
	s1 =	sshrl.u32 s1, $0x2  }
0x31: {  	s3 =	sand.u32 $0x4000, s31;
	s1 =	sadd.s32 s1, s30  }
0x32: {  	s0 =	sor.u32 s3, s0;
	s1 =	sshll.u32 s1, $0x11  }
0x33: {  	s0 =	sor.u32 s1, s0  }
0x34: {  	s0 =	sadd.s32 $0x8F2B, s0  }
0x35: {  	[sflag:s0] =	ssyncadd.remote.s32 $0x1  }
0x36: {  	_ =	sfence.sel $0xFFFF  }
0x37: {  	[dreg:$0x0] =	wrdreg $0xFFFFFFFF;
	(pc) =	sbr.abs _section_cstart, $3  }
0x38: {  	[dreg:$0x1] =	wrdreg $0xFFFFFFFF  }
0x39: {  	_ =	task.clear_ibuf [dreg:s7], $0x2FFFF;
	_ =	strace $0x9FFFFFFF  }
0x3a: {  	(tm) =	ssettm $0x7FFFFFFF  }
0x3b: {  	_ =	shalt  }
tec
execute0_lowered:
.L_overlay_start_1:
0x0: {  	(tag) =	ssettag $0x1  }
0x1: {  	s0 =	srdreg.scid  }
0x2: {  	s1 =	sshll.u32 s0, $0x4  }
0x3: {  	s0 =	stileid.u32;
	s1 =	sand.u32 $0x10, s1  }
0x4: {  	s1 =	sor.u32 s0, s1  }
0x5: {  	s6 =	rddreg [dreg:$0x0];
	s4 =	simm.s32 $0x1;
	s2 =	sshll.u32 s1, $0x7  }
0x6: {  	s7 =	simm.s32 $0x2;
	s12 =	simm.s32 $0x0;
	s1 =	ssub.s32 $0x1000, s2  }
0x7: {  	s8 =	simm.s32 $0x8000;
	s13 =	simm.s32 $0x0;
	s3 =	sand.u32 $0xF80, s1  }
0x8: {  	s9 =	simm.s32 $0x0;
	s5 =	sshrl.u32 s1, $0xC;
	p0 =	sne.s32 s3, $0x0  }
.Ltmp0:
0x9: {  	s1 =	rddreg [dreg:$0x2];
	s4 =	simm.s32 @!p0 $0x0;
	(pc) =	sbr.rel .LBB1_1-.Ltmp0, $4  }
0xa: {  	s11 =	simm.s32 $0x0;
	s3 =	rddreg [dreg:$0x1];
	s5 =	sadd.s32 s4, s5  }
0xb: {  	_ =	strace $0x8000004A;
	s4 =	simm.s32 $0x1;
	s5 =	smul.u32 $0xC8, s5  }
0xc: {  	s6 =	sadd.s32 $0x800, s6;
	s10 =	smov.u32 s2;
	[sflag:s4] =	ssyncpa.u1 $0x0  }
0xd: {  	p0 =	por $0x0, $0x0;
	[sflag:s7] =	ssyncpa.u1 $0x0;
	s7 =	sor.u32 $0x1, s5  }
.LBB1_4:
0xe: {  	s16 =	sshll.u32 s13, $0x3;
	s17 =	sand.u32 $0x78, s13  }
0xf: {  	s30 =	sand.u32 $0x7E00, s13;
	s12 =	sshll.u32 s12, $0xF;
	s16 =	sand.u32 $0xC00, s16  }
0x10: {  	[tilespmem:s15+$0x810 ss:$0x81] =	vst.msk $0xffff, v2;
	s31 =	sand.u32 $0x7, s13;
	s16 =	sor.u32 s17, s16;
	s17 =	sadd.s32 s3, s30  }
0x11: {  	[tilespmem:s15+$0x1020 ss:$0x81] =	vst.msk $0xffff, v0;
	s13 =	sshll.u32 s31, $0x12;
	s12 =	sadd.s32 s12, s17;
	s16 =	sshrl.u32 s16, $0x3  }
0x12: {  	[tilespmem:s15+$0x0 ss:$0x81] =	vst.msk $0xffff, v1;
	s13 =	sor.u32 $0x400, s13;
	s12 =	sadd.s32 s16, s12  }
0x13: {  	[hbm4b:s12+s13] =	stream.strided.scatter [tilespmem:s14], [sflag:$0x2], $0x2000, s8, s13, $0x20;
	[tilespmem:$0x8080] =	vst v63  }
.LBB1_5:
0x14: {  	s14 =	sadd.s32 $0x1, s9  }
0x15: {  	s12 =	sadd.s32 $0x1000, s10;
	s16 =	smov.u32 s10;
	p2 =	sgt.s32 s14, $0xC7  }
0x16: {  	s16 =	smov.u32 @p2 s12  }
0x17: {  	s14 =	simm.s32 @p2 $0x0;
	p2 =	sgt.s32 s16, $0xFFF  }
0x18: {  	s16 =	smov.u32 @p2 s2;
	p2 =	sne.s32 s11, s7  }
.Ltmp1:
0x19: {  	p1 =	slt.u32 s11, $0x2;
	(pc) =	sbr.rel @!p2 .LBB1_6-.Ltmp1, $4  }
0x1a: {  	s15 =	simm.s32 @!p1 $0x2  }
0x1b: {  	s13 =	smov.u32 s10;
	p0 =	por !p0, !p0;
	_ =	swait.ge @!p1 [sflag:s15], $0x2000  }
0x1c: {  	s12 =	smov.u32 s9;
	[sflag:s15] =	ssyncset.done @!p1 $0x0;
	s9 =	smov.u32 s14  }
0x1d: {  	s11 =	sadd.s32 $0x1, s11;
	[sflag:s15] =	ssyncadd.s32 @!p1 $0xFFFFE000;
	s10 =	smov.u32 s16  }
.LBB1_1:
0x1e: {  	p1 =	sge.u32 s11, s5  }
0x1f: {  	s14 =	sand.u32 @!p1 $0x1FFFFFF, s9  }
0x20: {  	s15 =	smulhi.u32 @!p1 $0x147AE15, s14;
	_ =	sdelay $0x1  }
0x21: {  	s15 =	smul.u32 @!p1 $0xC8, s15  }
0x22: {  	s16 =	sxor.u32 @!p1 $0xFFFFFFFF, s11;
	s17 =	smul.u32 @!p1 $0xC80, s10  }
0x23: {  	s31 =	sadd.s32 $0xFFFFFFFF, s11;
	s16 =	sshll.u32 @!p1 s16, $0xD;
	s14 =	ssub.s32 @!p1 s14, s15  }
0x24: {  	s15 =	sand.u32 @!p1 $0x2000, s16;
	s16 =	sadd.s32 @!p1 s6, s17;
	s14 =	sshll.u32 @!p1 s14, $0x4  }
0x25: {  	s17 =	simm.s32 @!p1 $0x6400;
	s14 =	sadd.s32 @!p1 s14, s16;
	s16 =	simm.s32 @!p1 $0x40  }
0x26: {  	[tilespmem:s15], [sflag:$0x1] =	stream.strided.gather @!p1 [hbm4b:s14+s16], $0x2000, s17, s16, $0x38;
	[tilespmem:$0x8080] =	vst v63  }
0x27: {  	p1 =	sge.u32 s31, s5  }
.Ltmp2:
0x28: {  	_ = 	snop;
	(pc) =	sbr.rel @p1 .LBB1_5-.Ltmp2, $1  }
0x29: {  	_ =	sdelay $0x3  }
0x2a: {  	s14 =	simm.s32 $0x1  }
0x2b: {  	_ =	swait.ge [sflag:s4], $0x2000;
	s14 =	simm.s32 @!p0 $0x0  }
0x2c: {  	[sflag:s4] =	ssyncset.done $0x0;
	s15 =	sshll.u32 s14, $0xD  }
0x2d: {  	[sflag:s4] =	ssyncadd.s32 $0xFFFFE000;
	s18 =	sor.u32 $0x20, s15  }
0x2e: {  	s14 =	smul.u32 $0x8100, s14;
	v3 =	vld [tilespmem:s18+$0x10]  }
0x2f: {  	s30 =	sand.u32 $0x1, s11;
	v2 =	vld [tilespmem:s18+$0xFFFFFFF0]  }
0x30: {  	s15 =	smul.u32 $0x8100, s30;
	s14 =	sshrl.u32 s14, $0x2;
	v0 =	vld [tilespmem:s18+$0x0]  }
0x31: {  	v1 =	vld [tilespmem:s18+$0xFFFFFFE0];
	s16 =	sor.u32 $0x4000, s14  }
0x32: {  	s31 =	sshrl.u32 s15, $0x2;
	s15 =	sadd.s32 $0x0, s16  }
0x33: {  	s17 =	simm.s32 $0x4;
	s18 =	sadd.s32 $0x40, s18;
	s14 =	sor.u32 $0x4000, s31;
	[tilespmem:s15+$0x1830 ss:$0x81] =	vst.msk $0xffff, v3  }
.LBB1_3:
0x34: {  	v3 =	vld [tilespmem:s18+$0x10];
	p1 =	sne.s32 s17, $0x1FC;
	[tilespmem:s15+$0x810 ss:$0x81] =	vst.msk $0xffff, v2;
	s19 =	smov.u32 s17;
	s17 =	sadd.s32 $0x4, s17  }
.Ltmp3:
0x35: {  	v2 =	vld [tilespmem:s18+$0xFFFFFFF0];
	[tilespmem:s15+$0x1020 ss:$0x81] =	vst.msk $0xffff, v0;
	(pc) =	sbr.rel @p1 .LBB1_3-.Ltmp3, $4  }
0x36: {  	v0 =	vld [tilespmem:s18+$0x0];
	[tilespmem:s15+$0x0 ss:$0x81] =	vst.msk $0xffff, v1  }
0x37: {  	s15 =	sshra.s32 s19, $0x2;
	v1 =	vld [tilespmem:s18+$0xFFFFFFE0]  }
0x38: {  	s15 =	sadd.s32 s15, s16  }
0x39: {  	s18 =	sadd.s32 $0x40, s18;
	[tilespmem:s15+$0x1830 ss:$0x81] =	vst.msk $0xffff, v3  }
.Ltmp4:
0x3a: {  	_ = 	snop;
	(pc) =	sbr.rel .LBB1_4-.Ltmp4, $1  }
0x3b: {  	_ =	sdelay $0x3  }
.LBB1_6:
0x3c: {  	_ =	sfence.sel $0x180000  }
0x3d: {  	s2 =	simm.s32 $0x1;
	[bflag:$0x0] =	sbarrier.arrive $0xFFFF  }
0x3e: {  	s31 =	simm.s32 $0x2;
	[sflag:s2] =	ssyncpa.u1 $0x1  }
0x3f: {  	[sflag:s31] =	ssyncpa.u1 $0x1  }
0x40: {  	p0 =	sne.s32 s0, $0x0;
	_ =	strace $0x9000004A  }
0x41: {  	s0 =	sadd.s32 @!p0 $0x100000, s1;
	[bflag:$0x2] =	sbarrier.arrive $0xFFFF  }
0x42: {  	[sflag:s0] =	ssyncadd.tile.s32 @!p0 $0x1;
	_ =	shalt  }
.Lfunc_end1:
_tile_overlayer_lowered:
.L_overlay_start_2:
0x43: {  	(tag) =	ssettag $0x2  }
0x44: {  	s0 =	rddreg [dreg:$0x0];
	s2 =	stileid.u32  }
0x45: {  	s1 =	rddreg [dreg:$0x1];
	p0 =	sne.s32 s2, $0x0  }
0x46: {  	s3 =	rddreg [dreg:$0x2];
	[bflag:$0x3] =	sbarrier.arrive $0xFFFF;
	s2 =	simm.s32 @!p0 $0x1C01  }
0x47: {  	[timem:s3], [sflag:s2] =	dma.local @!p0 [hbm:s0], s1  }
0x48: {  	s0 =	simm.s32 @!p0 $0x1  }
0x49: {  	_ =	swait.ge @!p0 [sflag:s0], s1  }
0x4a: {  	s1 =	ssub.s32 @!p0 $0x0, s1;
	[sflag:s0] =	ssyncset.done @!p0 $0x0  }
0x4b: {  	[sflag:s0] =	ssyncadd.s32 @!p0 s1  }
0x4c: {  	[bflag:$0x3] =	sbarrier.arrive $0xFFFF  }
0x4d: {  	_ =	shalt  }

</sc_bundles>
